<compile_context>
chip_gen: v7x
topology: tpu7x:2x2x1
jax: 0.10.2.dev20260603
libtpu: 0.0.44.dev20260713+nightly
codegen_flags: <defaults>
</compile_context>

<pallas_src>
import functools

import jax
import jax.numpy as jnp
from jax import lax
from jax.experimental import pallas as pl
from jax.experimental.pallas import tpu as pltpu
from jax.experimental.pallas import tpu_sc as plsc

N, C = 16384, 1000
NC, NS, L = 2, 16, 16
NW = NC * NS

N_TC = 10240
N_SC = N - N_TC
RPW = N_SC // NW
NST = RPW // L

BR = 2048
G_TC = N_TC // BR
TV = 128
SUB = BR // TV


def _sc_partial_sums(prob, target, reward):
    mesh = plsc.VectorSubcoreMesh(core_axis_name="c", subcore_axis_name="s")

    @functools.partial(
        pl.kernel,
        out_type=jax.ShapeDtypeStruct((NW * L,), jnp.float32),
        mesh=mesh,
        compiler_params=pltpu.CompilerParams(needs_layout_passes=False),
        scratch_types=[
            pltpu.VMEM((RPW,), jnp.int32),
            pltpu.VMEM((RPW,), jnp.float32),
            pltpu.VMEM((L, C), jnp.float32),
            pltpu.VMEM((L, C), jnp.float32),
            pltpu.VMEM((L,), jnp.float32),
            pltpu.SemaphoreType.DMA,
            pltpu.SemaphoreType.DMA,
        ],
    )
    def k(prob_hbm, tgt_hbm, rew_hbm, out_hbm, tgt_v, rew_v, buf0, buf1,
          acc_v, sem0, sem1):
        wid = lax.axis_index("s") * NC + lax.axis_index("c")
        base = N_TC + wid * RPW
        pltpu.sync_copy(tgt_hbm.at[pl.ds(base, RPW)], tgt_v)
        pltpu.sync_copy(rew_hbm.at[pl.ds(base, RPW)], rew_v)

        bufs = (buf0, buf1)
        sems = (sem0, sem1)

        def fetch(k_):
            return pltpu.async_copy(
                prob_hbm.at[pl.ds(pl.multiple_of(base + k_ * L, 8), L), :],
                bufs[k_ % 2], sems[k_ % 2])

        lane = lax.broadcasted_iota(jnp.int32, (L,), 0)
        copies = [None, None]
        copies[0] = fetch(0)
        acc = jnp.zeros((L,), jnp.float32)
        for k_ in range(NST):
            if k_ + 1 < NST:
                copies[(k_ + 1) % 2] = fetch(k_ + 1)
            copies[k_ % 2].wait()
            t = tgt_v[pl.ds(k_ * L, L)]
            vals = plsc.load_gather(bufs[k_ % 2], [lane, t])
            acc = acc + vals * rew_v[pl.ds(k_ * L, L)]
        acc_v[...] = acc
        pltpu.sync_copy(acc_v, out_hbm.at[pl.ds(wid * L, L)])

    return k(prob, target, reward)


def _tc_body(t_ref, w_ref, p_ref, o_ref):
    g = pl.program_id(0)
    tT = jnp.transpose(t_ref[...])
    wT = jnp.transpose(w_ref[...])

    part = jnp.zeros((), jnp.float32)
    iota = lax.broadcasted_iota(jnp.int32, (TV, C), 1)
    for a in range(SUB):
        t_col = tT[:, a:a + 1]
        w_col = wT[:, a:a + 1]
        pr = p_ref[pl.ds(a * TV, TV), :]
        tb = jnp.broadcast_to(t_col, (TV, C))
        wb = jnp.broadcast_to(w_col, (TV, C))
        part = part + jnp.sum(jnp.where(tb == iota, pr * wb, 0.0))

    @pl.when(g == 0)
    def _():
        o_ref[0, 0] = 0.0

    o_ref[0, 0] += part


def _tc_partial(prob, target, reward):
    tv = target.reshape(N // TV, TV)
    wv = reward.reshape(N // TV, TV)
    out = pl.pallas_call(
        _tc_body,
        grid=(G_TC,),
        in_specs=[
            pl.BlockSpec((SUB, TV), lambda g: (g, 0)),
            pl.BlockSpec((SUB, TV), lambda g: (g, 0)),
            pl.BlockSpec((BR, C), lambda g: (g, 0)),
        ],
        out_specs=pl.BlockSpec(memory_space=pltpu.SMEM),
        out_shape=jax.ShapeDtypeStruct((1, 1), jnp.float32),
    )(tv, wv, prob)
    return out[0, 0]


def kernel(prob, target, reward, device):
    sc_partials = _sc_partial_sums(prob, target, reward)
    tc_part = _tc_partial(prob, target, reward)
    return -(tc_part + jnp.sum(sc_partials)) * (1.0 / N)

# --- scband reference (transcript-rebuilt; emitter-appended) ---
"""Pipeline reference for scband-ganloss-59691455480232 (READ-ONLY COPY).

The authoritative reference and input builder live on the scoring server;
editing this copy changes nothing except your own understanding.
"""

import jax, jax.numpy as jnp
import numpy as np


def setup_inputs(seed: int = 0) -> dict:
    key = jax.random.key(seed)
    k1, k2, k3 = jax.random.split(key, 3)
    N, C = 16384, 1000
    prob = jax.random.normal(k1, (N, C), dtype=jnp.float32)
    target = jax.random.randint(k2, (N,), 0, C, dtype=jnp.int64 if jax.config.jax_enable_x64 else jnp.int32).astype(jnp.int32)
    reward = jax.random.uniform(k3, (N,), dtype=jnp.float32)
    device = 0
    return {"prob": prob, "target": target, "reward": reward, "device": device}


def reference(prob, target, reward, device):
    # one_hot scatter + masked_select with exactly one True per row is
    # equivalent to a per-row gather of the target column (same order).
    gathered = jnp.take_along_axis(prob, target.reshape(-1, 1).astype(jnp.int32), axis=1)[:, 0]
    loss = gathered * reward
    return -jnp.mean(loss)

if __name__ == "__main__":
    import jax
    _d = setup_inputs()
    print(jax.jit(kernel)(*tuple(_d.values())))

</pallas_src>

<mosaic_0001>
#map = affine_map<(d0, d1) -> (0, 0)>
#map1 = affine_map<(d0, d1) -> (0)>
module attributes {stable_mosaic.version = 14 : i64} {
  func.func @k(%arg0: i32, %arg1: i32, %arg2: memref<16384x1000xf32, #tpu.memory_space<hbm>>, %arg3: memref<16384xi32, #tpu.memory_space<hbm>>, %arg4: memref<16384xf32, #tpu.memory_space<hbm>>, %arg5: memref<512xf32, #tpu.memory_space<hbm>>, %arg6: memref<192xi32, #tpu.memory_space<vmem>>, %arg7: memref<192xf32, #tpu.memory_space<vmem>>, %arg8: memref<16x1000xf32, #tpu.memory_space<vmem>>, %arg9: memref<16x1000xf32, #tpu.memory_space<vmem>>, %arg10: memref<16xf32, #tpu.memory_space<vmem>>, %arg11: memref<!tpu.dma_semaphore, #tpu.memory_space<semaphore_mem>>, %arg12: memref<!tpu.dma_semaphore, #tpu.memory_space<semaphore_mem>>) attributes {dimension_semantics = [#tpu.dimension_semantics<core_parallel>, #tpu.dimension_semantics<subcore_parallel>], iteration_bounds = array<i64: 2, 16>, scalar_prefetch = 0 : i64, scratch_operands = 7 : i64, tpu.core_type = #tpu.core_type<sc_vector_subcore>, window_params = [{transform_indices = #map}, {transform_indices = #map1}, {transform_indices = #map1}, {transform_indices = #map1}]} {
    %mul3A = arith.constant 2 : i32
    %mul3A_0 = arith.muli %arg1, %mul3A : i32
    %add3A = arith.addi %mul3A_0, %arg0 : i32
    %mul3A_1 = arith.constant 192 : i32
    %mul3A_2 = arith.muli %add3A, %mul3A_1 : i32
    %add3A_3 = arith.constant 10240 : i32
    %add3A_4 = arith.addi %add3A_3, %mul3A_2 : i32
    "tpu.region"() ({
      %run_scoped3A = tpu.sem_alloc : memref<!tpu.dma_semaphore, #tpu.memory_space<semaphore_mem>>
      %dma_start3A_220 = tpu.memref_slice %arg3[%add3A_4] : memref<16384xi32, #tpu.memory_space<hbm>> -> memref<192xi32, #tpu.memory_space<hbm>>
      %dma_start3A_221 = tpu.memref_slice %arg3[%add3A_4] : memref<16384xi32, #tpu.memory_space<hbm>> -> memref<192xi32, #tpu.memory_space<hbm>>
      tpu.enqueue_dma source(%dma_start3A_221 : memref<192xi32, #tpu.memory_space<hbm>>) target(%arg6 : memref<192xi32, #tpu.memory_space<vmem>>) target_semaphore(%run_scoped3A : memref<!tpu.dma_semaphore, #tpu.memory_space<semaphore_mem>>)
      %dma_wait3A_222 = tpu.memref_slice %arg3[%add3A_4] : memref<16384xi32, #tpu.memory_space<hbm>> -> memref<192xi32, #tpu.memory_space<hbm>>
      %dma_wait3A_223 = tpu.memref_slice %arg3[%add3A_4] : memref<16384xi32, #tpu.memory_space<hbm>> -> memref<192xi32, #tpu.memory_space<hbm>>
      tpu.wait_dma2 semaphore(%run_scoped3A : memref<!tpu.dma_semaphore, #tpu.memory_space<semaphore_mem>>) src(%dma_wait3A_223 : memref<192xi32, #tpu.memory_space<hbm>>) dst(%arg6 : memref<192xi32, #tpu.memory_space<vmem>>)
      tpu.yield
    }) : () -> ()
    "tpu.region"() ({
      %run_scoped3A = tpu.sem_alloc : memref<!tpu.dma_semaphore, #tpu.memory_space<semaphore_mem>>
      %dma_start3A_220 = tpu.memref_slice %arg4[%add3A_4] : memref<16384xf32, #tpu.memory_space<hbm>> -> memref<192xf32, #tpu.memory_space<hbm>>
      %dma_start3A_221 = tpu.memref_slice %arg4[%add3A_4] : memref<16384xf32, #tpu.memory_space<hbm>> -> memref<192xf32, #tpu.memory_space<hbm>>
      tpu.enqueue_dma source(%dma_start3A_221 : memref<192xf32, #tpu.memory_space<hbm>>) target(%arg7 : memref<192xf32, #tpu.memory_space<vmem>>) target_semaphore(%run_scoped3A : memref<!tpu.dma_semaphore, #tpu.memory_space<semaphore_mem>>)
      %dma_wait3A_222 = tpu.memref_slice %arg4[%add3A_4] : memref<16384xf32, #tpu.memory_space<hbm>> -> memref<192xf32, #tpu.memory_space<hbm>>
      %dma_wait3A_223 = tpu.memref_slice %arg4[%add3A_4] : memref<16384xf32, #tpu.memory_space<hbm>> -> memref<192xf32, #tpu.memory_space<hbm>>
      tpu.wait_dma2 semaphore(%run_scoped3A : memref<!tpu.dma_semaphore, #tpu.memory_space<semaphore_mem>>) src(%dma_wait3A_223 : memref<192xf32, #tpu.memory_space<hbm>>) dst(%arg7 : memref<192xf32, #tpu.memory_space<vmem>>)
      tpu.yield
    }) : () -> ()
    %iota3A = tpu.iota {dimensions = array<i32: 0>} : vector<16xi32>
    %add3A_5 = arith.constant 0 : i32
    %add3A_6 = arith.addi %add3A_4, %add3A_5 : i32
    %multiple_of3A = tpu.assume_multiple %add3A_6, 8 : i32
    %dma_start3A = arith.constant 0 : i32
    %dma_start3A_7 = tpu.memref_slice %arg2[%multiple_of3A, %dma_start3A] : memref<16384x1000xf32, #tpu.memory_space<hbm>> -> memref<16x1000xf32, #tpu.memory_space<hbm>>
    %dma_start3A_8 = arith.constant 0 : i32
    %dma_start3A_9 = tpu.memref_slice %arg2[%multiple_of3A, %dma_start3A_8] : memref<16384x1000xf32, #tpu.memory_space<hbm>> -> memref<16x1000xf32, #tpu.memory_space<hbm>>
    tpu.enqueue_dma source(%dma_start3A_9 : memref<16x1000xf32, #tpu.memory_space<hbm>>) target(%arg8 : memref<16x1000xf32, #tpu.memory_space<vmem>>) target_semaphore(%arg11 : memref<!tpu.dma_semaphore, #tpu.memory_space<semaphore_mem>>)
    %broadcast_in_dim3A = arith.constant 0.000000e+00 : f32
    %broadcast_in_dim3A_10 = vector.broadcast %broadcast_in_dim3A : f32 to vector<16xf32>
    %add3A_11 = arith.constant 16 : i32
    %add3A_12 = arith.addi %add3A_4, %add3A_11 : i32
    %multiple_of3A_13 = tpu.assume_multiple %add3A_12, 8 : i32
    %dma_start3A_14 = arith.constant 0 : i32
    %dma_start3A_15 = tpu.memref_slice %arg2[%multiple_of3A_13, %dma_start3A_14] : memref<16384x1000xf32, #tpu.memory_space<hbm>> -> memref<16x1000xf32, #tpu.memory_space<hbm>>
    %dma_start3A_16 = arith.constant 0 : i32
    %dma_start3A_17 = tpu.memref_slice %arg2[%multiple_of3A_13, %dma_start3A_16] : memref<16384x1000xf32, #tpu.memory_space<hbm>> -> memref<16x1000xf32, #tpu.memory_space<hbm>>
    tpu.enqueue_dma source(%dma_start3A_17 : memref<16x1000xf32, #tpu.memory_space<hbm>>) target(%arg9 : memref<16x1000xf32, #tpu.memory_space<vmem>>) target_semaphore(%arg12 : memref<!tpu.dma_semaphore, #tpu.memory_space<semaphore_mem>>)
    %dma_wait3A = arith.constant 0 : i32
    %dma_wait3A_18 = tpu.memref_slice %arg2[%multiple_of3A, %dma_wait3A] : memref<16384x1000xf32, #tpu.memory_space<hbm>> -> memref<16x1000xf32, #tpu.memory_space<hbm>>
    %dma_wait3A_19 = arith.constant 0 : i32
    %dma_wait3A_20 = tpu.memref_slice %arg2[%multiple_of3A, %dma_wait3A_19] : memref<16384x1000xf32, #tpu.memory_space<hbm>> -> memref<16x1000xf32, #tpu.memory_space<hbm>>
    tpu.wait_dma2 semaphore(%arg11 : memref<!tpu.dma_semaphore, #tpu.memory_space<semaphore_mem>>) src(%dma_wait3A_20 : memref<16x1000xf32, #tpu.memory_space<hbm>>) dst(%arg8 : memref<16x1000xf32, #tpu.memory_space<vmem>>)
    %get3A = arith.constant 0 : index
    %get3A_21 = tpu.vector_load %arg6[%get3A] {strides = array<i32>} : memref<192xi32, #tpu.memory_space<vmem>>, vector<16xi32>,
    %gather3A = tpu.vector_load_idx %arg8[%iota3A, %get3A_21] : memref<16x1000xf32, #tpu.memory_space<vmem>>[vector<16xi32>, vector<16xi32>], vector<16xf32>,
    %get3A_22 = arith.constant 0 : index
    %get3A_23 = tpu.vector_load %arg7[%get3A_22] {strides = array<i32>} : memref<192xf32, #tpu.memory_space<vmem>>, vector<16xf32>,
    %mul3A_24 = arith.mulf %gather3A, %get3A_23 : vector<16xf32>
    %add3A_25 = arith.addf %broadcast_in_dim3A_10, %mul3A_24 : vector<16xf32>
    %add3A_26 = arith.constant 32 : i32
    %add3A_27 = arith.addi %add3A_4, %add3A_26 : i32
    %multiple_of3A_28 = tpu.assume_multiple %add3A_27, 8 : i32
    %dma_start3A_29 = arith.constant 0 : i32
    %dma_start3A_30 = tpu.memref_slice %arg2[%multiple_of3A_28, %dma_start3A_29] : memref<16384x1000xf32, #tpu.memory_space<hbm>> -> memref<16x1000xf32, #tpu.memory_space<hbm>>
    %dma_start3A_31 = arith.constant 0 : i32
    %dma_start3A_32 = tpu.memref_slice %arg2[%multiple_of3A_28, %dma_start3A_31] : memref<16384x1000xf32, #tpu.memory_space<hbm>> -> memref<16x1000xf32, #tpu.memory_space<hbm>>
    tpu.enqueue_dma source(%dma_start3A_32 : memref<16x1000xf32, #tpu.memory_space<hbm>>) target(%arg8 : memref<16x1000xf32, #tpu.memory_space<vmem>>) target_semaphore(%arg11 : memref<!tpu.dma_semaphore, #tpu.memory_space<semaphore_mem>>)
    %dma_wait3A_33 = arith.constant 0 : i32
    %dma_wait3A_34 = tpu.memref_slice %arg2[%multiple_of3A_13, %dma_wait3A_33] : memref<16384x1000xf32, #tpu.memory_space<hbm>> -> memref<16x1000xf32, #tpu.memory_space<hbm>>
    %dma_wait3A_35 = arith.constant 0 : i32
    %dma_wait3A_36 = tpu.memref_slice %arg2[%multiple_of3A_13, %dma_wait3A_35] : memref<16384x1000xf32, #tpu.memory_space<hbm>> -> memref<16x1000xf32, #tpu.memory_space<hbm>>
    tpu.wait_dma2 semaphore(%arg12 : memref<!tpu.dma_semaphore, #tpu.memory_space<semaphore_mem>>) src(%dma_wait3A_36 : memref<16x1000xf32, #tpu.memory_space<hbm>>) dst(%arg9 : memref<16x1000xf32, #tpu.memory_space<vmem>>)
    %get3A_37 = arith.constant 16 : index
    %get3A_38 = tpu.vector_load %arg6[%get3A_37] {strides = array<i32>} : memref<192xi32, #tpu.memory_space<vmem>>, vector<16xi32>,
    %gather3A_39 = tpu.vector_load_idx %arg9[%iota3A, %get3A_38] : memref<16x1000xf32, #tpu.memory_space<vmem>>[vector<16xi32>, vector<16xi32>], vector<16xf32>,
    %get3A_40 = arith.constant 16 : index
    %get3A_41 = tpu.vector_load %arg7[%get3A_40] {strides = array<i32>} : memref<192xf32, #tpu.memory_space<vmem>>, vector<16xf32>,
    %mul3A_42 = arith.mulf %gather3A_39, %get3A_41 : vector<16xf32>
    %add3A_43 = arith.addf %add3A_25, %mul3A_42 : vector<16xf32>
    %add3A_44 = arith.constant 48 : i32
    %add3A_45 = arith.addi %add3A_4, %add3A_44 : i32
    %multiple_of3A_46 = tpu.assume_multiple %add3A_45, 8 : i32
    %dma_start3A_47 = arith.constant 0 : i32
    %dma_start3A_48 = tpu.memref_slice %arg2[%multiple_of3A_46, %dma_start3A_47] : memref<16384x1000xf32, #tpu.memory_space<hbm>> -> memref<16x1000xf32, #tpu.memory_space<hbm>>
    %dma_start3A_49 = arith.constant 0 : i32
    %dma_start3A_50 = tpu.memref_slice %arg2[%multiple_of3A_46, %dma_start3A_49] : memref<16384x1000xf32, #tpu.memory_space<hbm>> -> memref<16x1000xf32, #tpu.memory_space<hbm>>
    tpu.enqueue_dma source(%dma_start3A_50 : memref<16x1000xf32, #tpu.memory_space<hbm>>) target(%arg9 : memref<16x1000xf32, #tpu.memory_space<vmem>>) target_semaphore(%arg12 : memref<!tpu.dma_semaphore, #tpu.memory_space<semaphore_mem>>)
    %dma_wait3A_51 = arith.constant 0 : i32
    %dma_wait3A_52 = tpu.memref_slice %arg2[%multiple_of3A_28, %dma_wait3A_51] : memref<16384x1000xf32, #tpu.memory_space<hbm>> -> memref<16x1000xf32, #tpu.memory_space<hbm>>
    %dma_wait3A_53 = arith.constant 0 : i32
    %dma_wait3A_54 = tpu.memref_slice %arg2[%multiple_of3A_28, %dma_wait3A_53] : memref<16384x1000xf32, #tpu.memory_space<hbm>> -> memref<16x1000xf32, #tpu.memory_space<hbm>>
    tpu.wait_dma2 semaphore(%arg11 : memref<!tpu.dma_semaphore, #tpu.memory_space<semaphore_mem>>) src(%dma_wait3A_54 : memref<16x1000xf32, #tpu.memory_space<hbm>>) dst(%arg8 : memref<16x1000xf32, #tpu.memory_space<vmem>>)
    %get3A_55 = arith.constant 32 : index
    %get3A_56 = tpu.vector_load %arg6[%get3A_55] {strides = array<i32>} : memref<192xi32, #tpu.memory_space<vmem>>, vector<16xi32>,
    %gather3A_57 = tpu.vector_load_idx %arg8[%iota3A, %get3A_56] : memref<16x1000xf32, #tpu.memory_space<vmem>>[vector<16xi32>, vector<16xi32>], vector<16xf32>,
    %get3A_58 = arith.constant 32 : index
    %get3A_59 = tpu.vector_load %arg7[%get3A_58] {strides = array<i32>} : memref<192xf32, #tpu.memory_space<vmem>>, vector<16xf32>,
    %mul3A_60 = arith.mulf %gather3A_57, %get3A_59 : vector<16xf32>
    %add3A_61 = arith.addf %add3A_43, %mul3A_60 : vector<16xf32>
    %add3A_62 = arith.constant 64 : i32
    %add3A_63 = arith.addi %add3A_4, %add3A_62 : i32
    %multiple_of3A_64 = tpu.assume_multiple %add3A_63, 8 : i32
    %dma_start3A_65 = arith.constant 0 : i32
    %dma_start3A_66 = tpu.memref_slice %arg2[%multiple_of3A_64, %dma_start3A_65] : memref<16384x1000xf32, #tpu.memory_space<hbm>> -> memref<16x1000xf32, #tpu.memory_space<hbm>>
    %dma_start3A_67 = arith.constant 0 : i32
    %dma_start3A_68 = tpu.memref_slice %arg2[%multiple_of3A_64, %dma_start3A_67] : memref<16384x1000xf32, #tpu.memory_space<hbm>> -> memref<16x1000xf32, #tpu.memory_space<hbm>>
    tpu.enqueue_dma source(%dma_start3A_68 : memref<16x1000xf32, #tpu.memory_space<hbm>>) target(%arg8 : memref<16x1000xf32, #tpu.memory_space<vmem>>) target_semaphore(%arg11 : memref<!tpu.dma_semaphore, #tpu.memory_space<semaphore_mem>>)
    %dma_wait3A_69 = arith.constant 0 : i32
    %dma_wait3A_70 = tpu.memref_slice %arg2[%multiple_of3A_46, %dma_wait3A_69] : memref<16384x1000xf32, #tpu.memory_space<hbm>> -> memref<16x1000xf32, #tpu.memory_space<hbm>>
    %dma_wait3A_71 = arith.constant 0 : i32
    %dma_wait3A_72 = tpu.memref_slice %arg2[%multiple_of3A_46, %dma_wait3A_71] : memref<16384x1000xf32, #tpu.memory_space<hbm>> -> memref<16x1000xf32, #tpu.memory_space<hbm>>
    tpu.wait_dma2 semaphore(%arg12 : memref<!tpu.dma_semaphore, #tpu.memory_space<semaphore_mem>>) src(%dma_wait3A_72 : memref<16x1000xf32, #tpu.memory_space<hbm>>) dst(%arg9 : memref<16x1000xf32, #tpu.memory_space<vmem>>)
    %get3A_73 = arith.constant 48 : index
    %get3A_74 = tpu.vector_load %arg6[%get3A_73] {strides = array<i32>} : memref<192xi32, #tpu.memory_space<vmem>>, vector<16xi32>,
    %gather3A_75 = tpu.vector_load_idx %arg9[%iota3A, %get3A_74] : memref<16x1000xf32, #tpu.memory_space<vmem>>[vector<16xi32>, vector<16xi32>], vector<16xf32>,
    %get3A_76 = arith.constant 48 : index
    %get3A_77 = tpu.vector_load %arg7[%get3A_76] {strides = array<i32>} : memref<192xf32, #tpu.memory_space<vmem>>, vector<16xf32>,
    %mul3A_78 = arith.mulf %gather3A_75, %get3A_77 : vector<16xf32>
    %add3A_79 = arith.addf %add3A_61, %mul3A_78 : vector<16xf32>
    %add3A_80 = arith.constant 80 : i32
    %add3A_81 = arith.addi %add3A_4, %add3A_80 : i32
    %multiple_of3A_82 = tpu.assume_multiple %add3A_81, 8 : i32
    %dma_start3A_83 = arith.constant 0 : i32
    %dma_start3A_84 = tpu.memref_slice %arg2[%multiple_of3A_82, %dma_start3A_83] : memref<16384x1000xf32, #tpu.memory_space<hbm>> -> memref<16x1000xf32, #tpu.memory_space<hbm>>
    %dma_start3A_85 = arith.constant 0 : i32
    %dma_start3A_86 = tpu.memref_slice %arg2[%multiple_of3A_82, %dma_start3A_85] : memref<16384x1000xf32, #tpu.memory_space<hbm>> -> memref<16x1000xf32, #tpu.memory_space<hbm>>
    tpu.enqueue_dma source(%dma_start3A_86 : memref<16x1000xf32, #tpu.memory_space<hbm>>) target(%arg9 : memref<16x1000xf32, #tpu.memory_space<vmem>>) target_semaphore(%arg12 : memref<!tpu.dma_semaphore, #tpu.memory_space<semaphore_mem>>)
    %dma_wait3A_87 = arith.constant 0 : i32
    %dma_wait3A_88 = tpu.memref_slice %arg2[%multiple_of3A_64, %dma_wait3A_87] : memref<16384x1000xf32, #tpu.memory_space<hbm>> -> memref<16x1000xf32, #tpu.memory_space<hbm>>
    %dma_wait3A_89 = arith.constant 0 : i32
    %dma_wait3A_90 = tpu.memref_slice %arg2[%multiple_of3A_64, %dma_wait3A_89] : memref<16384x1000xf32, #tpu.memory_space<hbm>> -> memref<16x1000xf32, #tpu.memory_space<hbm>>
    tpu.wait_dma2 semaphore(%arg11 : memref<!tpu.dma_semaphore, #tpu.memory_space<semaphore_mem>>) src(%dma_wait3A_90 : memref<16x1000xf32, #tpu.memory_space<hbm>>) dst(%arg8 : memref<16x1000xf32, #tpu.memory_space<vmem>>)
    %get3A_91 = arith.constant 64 : index
    %get3A_92 = tpu.vector_load %arg6[%get3A_91] {strides = array<i32>} : memref<192xi32, #tpu.memory_space<vmem>>, vector<16xi32>,
    %gather3A_93 = tpu.vector_load_idx %arg8[%iota3A, %get3A_92] : memref<16x1000xf32, #tpu.memory_space<vmem>>[vector<16xi32>, vector<16xi32>], vector<16xf32>,
    %get3A_94 = arith.constant 64 : index
    %get3A_95 = tpu.vector_load %arg7[%get3A_94] {strides = array<i32>} : memref<192xf32, #tpu.memory_space<vmem>>, vector<16xf32>,
    %mul3A_96 = arith.mulf %gather3A_93, %get3A_95 : vector<16xf32>
    %add3A_97 = arith.addf %add3A_79, %mul3A_96 : vector<16xf32>
    %add3A_98 = arith.constant 96 : i32
    %add3A_99 = arith.addi %add3A_4, %add3A_98 : i32
    %multiple_of3A_100 = tpu.assume_multiple %add3A_99, 8 : i32
    %dma_start3A_101 = arith.constant 0 : i32
    %dma_start3A_102 = tpu.memref_slice %arg2[%multiple_of3A_100, %dma_start3A_101] : memref<16384x1000xf32, #tpu.memory_space<hbm>> -> memref<16x1000xf32, #tpu.memory_space<hbm>>
    %dma_start3A_103 = arith.constant 0 : i32
    %dma_start3A_104 = tpu.memref_slice %arg2[%multiple_of3A_100, %dma_start3A_103] : memref<16384x1000xf32, #tpu.memory_space<hbm>> -> memref<16x1000xf32, #tpu.memory_space<hbm>>
    tpu.enqueue_dma source(%dma_start3A_104 : memref<16x1000xf32, #tpu.memory_space<hbm>>) target(%arg8 : memref<16x1000xf32, #tpu.memory_space<vmem>>) target_semaphore(%arg11 : memref<!tpu.dma_semaphore, #tpu.memory_space<semaphore_mem>>)
    %dma_wait3A_105 = arith.constant 0 : i32
    %dma_wait3A_106 = tpu.memref_slice %arg2[%multiple_of3A_82, %dma_wait3A_105] : memref<16384x1000xf32, #tpu.memory_space<hbm>> -> memref<16x1000xf32, #tpu.memory_space<hbm>>
    %dma_wait3A_107 = arith.constant 0 : i32
    %dma_wait3A_108 = tpu.memref_slice %arg2[%multiple_of3A_82, %dma_wait3A_107] : memref<16384x1000xf32, #tpu.memory_space<hbm>> -> memref<16x1000xf32, #tpu.memory_space<hbm>>
    tpu.wait_dma2 semaphore(%arg12 : memref<!tpu.dma_semaphore, #tpu.memory_space<semaphore_mem>>) src(%dma_wait3A_108 : memref<16x1000xf32, #tpu.memory_space<hbm>>) dst(%arg9 : memref<16x1000xf32, #tpu.memory_space<vmem>>)
    %get3A_109 = arith.constant 80 : index
    %get3A_110 = tpu.vector_load %arg6[%get3A_109] {strides = array<i32>} : memref<192xi32, #tpu.memory_space<vmem>>, vector<16xi32>,
    %gather3A_111 = tpu.vector_load_idx %arg9[%iota3A, %get3A_110] : memref<16x1000xf32, #tpu.memory_space<vmem>>[vector<16xi32>, vector<16xi32>], vector<16xf32>,
    %get3A_112 = arith.constant 80 : index
    %get3A_113 = tpu.vector_load %arg7[%get3A_112] {strides = array<i32>} : memref<192xf32, #tpu.memory_space<vmem>>, vector<16xf32>,
    %mul3A_114 = arith.mulf %gather3A_111, %get3A_113 : vector<16xf32>
    %add3A_115 = arith.addf %add3A_97, %mul3A_114 : vector<16xf32>
    %add3A_116 = arith.constant 112 : i32
    %add3A_117 = arith.addi %add3A_4, %add3A_116 : i32
    %multiple_of3A_118 = tpu.assume_multiple %add3A_117, 8 : i32
    %dma_start3A_119 = arith.constant 0 : i32
    %dma_start3A_120 = tpu.memref_slice %arg2[%multiple_of3A_118, %dma_start3A_119] : memref<16384x1000xf32, #tpu.memory_space<hbm>> -> memref<16x1000xf32, #tpu.memory_space<hbm>>
    %dma_start3A_121 = arith.constant 0 : i32
    %dma_start3A_122 = tpu.memref_slice %arg2[%multiple_of3A_118, %dma_start3A_121] : memref<16384x1000xf32, #tpu.memory_space<hbm>> -> memref<16x1000xf32, #tpu.memory_space<hbm>>
    tpu.enqueue_dma source(%dma_start3A_122 : memref<16x1000xf32, #tpu.memory_space<hbm>>) target(%arg9 : memref<16x1000xf32, #tpu.memory_space<vmem>>) target_semaphore(%arg12 : memref<!tpu.dma_semaphore, #tpu.memory_space<semaphore_mem>>)
    %dma_wait3A_123 = arith.constant 0 : i32
    %dma_wait3A_124 = tpu.memref_slice %arg2[%multiple_of3A_100, %dma_wait3A_123] : memref<16384x1000xf32, #tpu.memory_space<hbm>> -> memref<16x1000xf32, #tpu.memory_space<hbm>>
    %dma_wait3A_125 = arith.constant 0 : i32
    %dma_wait3A_126 = tpu.memref_slice %arg2[%multiple_of3A_100, %dma_wait3A_125] : memref<16384x1000xf32, #tpu.memory_space<hbm>> -> memref<16x1000xf32, #tpu.memory_space<hbm>>
    tpu.wait_dma2 semaphore(%arg11 : memref<!tpu.dma_semaphore, #tpu.memory_space<semaphore_mem>>) src(%dma_wait3A_126 : memref<16x1000xf32, #tpu.memory_space<hbm>>) dst(%arg8 : memref<16x1000xf32, #tpu.memory_space<vmem>>)
    %get3A_127 = arith.constant 96 : index
    %get3A_128 = tpu.vector_load %arg6[%get3A_127] {strides = array<i32>} : memref<192xi32, #tpu.memory_space<vmem>>, vector<16xi32>,
    %gather3A_129 = tpu.vector_load_idx %arg8[%iota3A, %get3A_128] : memref<16x1000xf32, #tpu.memory_space<vmem>>[vector<16xi32>, vector<16xi32>], vector<16xf32>,
    %get3A_130 = arith.constant 96 : index
    %get3A_131 = tpu.vector_load %arg7[%get3A_130] {strides = array<i32>} : memref<192xf32, #tpu.memory_space<vmem>>, vector<16xf32>,
    %mul3A_132 = arith.mulf %gather3A_129, %get3A_131 : vector<16xf32>
    %add3A_133 = arith.addf %add3A_115, %mul3A_132 : vector<16xf32>
    %add3A_134 = arith.constant 128 : i32
    %add3A_135 = arith.addi %add3A_4, %add3A_134 : i32
    %multiple_of3A_136 = tpu.assume_multiple %add3A_135, 8 : i32
    %dma_start3A_137 = arith.constant 0 : i32
    %dma_start3A_138 = tpu.memref_slice %arg2[%multiple_of3A_136, %dma_start3A_137] : memref<16384x1000xf32, #tpu.memory_space<hbm>> -> memref<16x1000xf32, #tpu.memory_space<hbm>>
    %dma_start3A_139 = arith.constant 0 : i32
    %dma_start3A_140 = tpu.memref_slice %arg2[%multiple_of3A_136, %dma_start3A_139] : memref<16384x1000xf32, #tpu.memory_space<hbm>> -> memref<16x1000xf32, #tpu.memory_space<hbm>>
    tpu.enqueue_dma source(%dma_start3A_140 : memref<16x1000xf32, #tpu.memory_space<hbm>>) target(%arg8 : memref<16x1000xf32, #tpu.memory_space<vmem>>) target_semaphore(%arg11 : memref<!tpu.dma_semaphore, #tpu.memory_space<semaphore_mem>>)
    %dma_wait3A_141 = arith.constant 0 : i32
    %dma_wait3A_142 = tpu.memref_slice %arg2[%multiple_of3A_118, %dma_wait3A_141] : memref<16384x1000xf32, #tpu.memory_space<hbm>> -> memref<16x1000xf32, #tpu.memory_space<hbm>>
    %dma_wait3A_143 = arith.constant 0 : i32
    %dma_wait3A_144 = tpu.memref_slice %arg2[%multiple_of3A_118, %dma_wait3A_143] : memref<16384x1000xf32, #tpu.memory_space<hbm>> -> memref<16x1000xf32, #tpu.memory_space<hbm>>
    tpu.wait_dma2 semaphore(%arg12 : memref<!tpu.dma_semaphore, #tpu.memory_space<semaphore_mem>>) src(%dma_wait3A_144 : memref<16x1000xf32, #tpu.memory_space<hbm>>) dst(%arg9 : memref<16x1000xf32, #tpu.memory_space<vmem>>)
    %get3A_145 = arith.constant 112 : index
    %get3A_146 = tpu.vector_load %arg6[%get3A_145] {strides = array<i32>} : memref<192xi32, #tpu.memory_space<vmem>>, vector<16xi32>,
    %gather3A_147 = tpu.vector_load_idx %arg9[%iota3A, %get3A_146] : memref<16x1000xf32, #tpu.memory_space<vmem>>[vector<16xi32>, vector<16xi32>], vector<16xf32>,
    %get3A_148 = arith.constant 112 : index
    %get3A_149 = tpu.vector_load %arg7[%get3A_148] {strides = array<i32>} : memref<192xf32, #tpu.memory_space<vmem>>, vector<16xf32>,
    %mul3A_150 = arith.mulf %gather3A_147, %get3A_149 : vector<16xf32>
    %add3A_151 = arith.addf %add3A_133, %mul3A_150 : vector<16xf32>
    %add3A_152 = arith.constant 144 : i32
    %add3A_153 = arith.addi %add3A_4, %add3A_152 : i32
    %multiple_of3A_154 = tpu.assume_multiple %add3A_153, 8 : i32
    %dma_start3A_155 = arith.constant 0 : i32
    %dma_start3A_156 = tpu.memref_slice %arg2[%multiple_of3A_154, %dma_start3A_155] : memref<16384x1000xf32, #tpu.memory_space<hbm>> -> memref<16x1000xf32, #tpu.memory_space<hbm>>
    %dma_start3A_157 = arith.constant 0 : i32
    %dma_start3A_158 = tpu.memref_slice %arg2[%multiple_of3A_154, %dma_start3A_157] : memref<16384x1000xf32, #tpu.memory_space<hbm>> -> memref<16x1000xf32, #tpu.memory_space<hbm>>
    tpu.enqueue_dma source(%dma_start3A_158 : memref<16x1000xf32, #tpu.memory_space<hbm>>) target(%arg9 : memref<16x1000xf32, #tpu.memory_space<vmem>>) target_semaphore(%arg12 : memref<!tpu.dma_semaphore, #tpu.memory_space<semaphore_mem>>)
    %dma_wait3A_159 = arith.constant 0 : i32
    %dma_wait3A_160 = tpu.memref_slice %arg2[%multiple_of3A_136, %dma_wait3A_159] : memref<16384x1000xf32, #tpu.memory_space<hbm>> -> memref<16x1000xf32, #tpu.memory_space<hbm>>
    %dma_wait3A_161 = arith.constant 0 : i32
    %dma_wait3A_162 = tpu.memref_slice %arg2[%multiple_of3A_136, %dma_wait3A_161] : memref<16384x1000xf32, #tpu.memory_space<hbm>> -> memref<16x1000xf32, #tpu.memory_space<hbm>>
    tpu.wait_dma2 semaphore(%arg11 : memref<!tpu.dma_semaphore, #tpu.memory_space<semaphore_mem>>) src(%dma_wait3A_162 : memref<16x1000xf32, #tpu.memory_space<hbm>>) dst(%arg8 : memref<16x1000xf32, #tpu.memory_space<vmem>>)
    %get3A_163 = arith.constant 128 : index
    %get3A_164 = tpu.vector_load %arg6[%get3A_163] {strides = array<i32>} : memref<192xi32, #tpu.memory_space<vmem>>, vector<16xi32>,
    %gather3A_165 = tpu.vector_load_idx %arg8[%iota3A, %get3A_164] : memref<16x1000xf32, #tpu.memory_space<vmem>>[vector<16xi32>, vector<16xi32>], vector<16xf32>,
    %get3A_166 = arith.constant 128 : index
    %get3A_167 = tpu.vector_load %arg7[%get3A_166] {strides = array<i32>} : memref<192xf32, #tpu.memory_space<vmem>>, vector<16xf32>,
    %mul3A_168 = arith.mulf %gather3A_165, %get3A_167 : vector<16xf32>
    %add3A_169 = arith.addf %add3A_151, %mul3A_168 : vector<16xf32>
    %add3A_170 = arith.constant 160 : i32
    %add3A_171 = arith.addi %add3A_4, %add3A_170 : i32
    %multiple_of3A_172 = tpu.assume_multiple %add3A_171, 8 : i32
    %dma_start3A_173 = arith.constant 0 : i32
    %dma_start3A_174 = tpu.memref_slice %arg2[%multiple_of3A_172, %dma_start3A_173] : memref<16384x1000xf32, #tpu.memory_space<hbm>> -> memref<16x1000xf32, #tpu.memory_space<hbm>>
    %dma_start3A_175 = arith.constant 0 : i32
    %dma_start3A_176 = tpu.memref_slice %arg2[%multiple_of3A_172, %dma_start3A_175] : memref<16384x1000xf32, #tpu.memory_space<hbm>> -> memref<16x1000xf32, #tpu.memory_space<hbm>>
    tpu.enqueue_dma source(%dma_start3A_176 : memref<16x1000xf32, #tpu.memory_space<hbm>>) target(%arg8 : memref<16x1000xf32, #tpu.memory_space<vmem>>) target_semaphore(%arg11 : memref<!tpu.dma_semaphore, #tpu.memory_space<semaphore_mem>>)
    %dma_wait3A_177 = arith.constant 0 : i32
    %dma_wait3A_178 = tpu.memref_slice %arg2[%multiple_of3A_154, %dma_wait3A_177] : memref<16384x1000xf32, #tpu.memory_space<hbm>> -> memref<16x1000xf32, #tpu.memory_space<hbm>>
    %dma_wait3A_179 = arith.constant 0 : i32
    %dma_wait3A_180 = tpu.memref_slice %arg2[%multiple_of3A_154, %dma_wait3A_179] : memref<16384x1000xf32, #tpu.memory_space<hbm>> -> memref<16x1000xf32, #tpu.memory_space<hbm>>
    tpu.wait_dma2 semaphore(%arg12 : memref<!tpu.dma_semaphore, #tpu.memory_space<semaphore_mem>>) src(%dma_wait3A_180 : memref<16x1000xf32, #tpu.memory_space<hbm>>) dst(%arg9 : memref<16x1000xf32, #tpu.memory_space<vmem>>)
    %get3A_181 = arith.constant 144 : index
    %get3A_182 = tpu.vector_load %arg6[%get3A_181] {strides = array<i32>} : memref<192xi32, #tpu.memory_space<vmem>>, vector<16xi32>,
    %gather3A_183 = tpu.vector_load_idx %arg9[%iota3A, %get3A_182] : memref<16x1000xf32, #tpu.memory_space<vmem>>[vector<16xi32>, vector<16xi32>], vector<16xf32>,
    %get3A_184 = arith.constant 144 : index
    %get3A_185 = tpu.vector_load %arg7[%get3A_184] {strides = array<i32>} : memref<192xf32, #tpu.memory_space<vmem>>, vector<16xf32>,
    %mul3A_186 = arith.mulf %gather3A_183, %get3A_185 : vector<16xf32>
    %add3A_187 = arith.addf %add3A_169, %mul3A_186 : vector<16xf32>
    %add3A_188 = arith.constant 176 : i32
    %add3A_189 = arith.addi %add3A_4, %add3A_188 : i32
    %multiple_of3A_190 = tpu.assume_multiple %add3A_189, 8 : i32
    %dma_start3A_191 = arith.constant 0 : i32
    %dma_start3A_192 = tpu.memref_slice %arg2[%multiple_of3A_190, %dma_start3A_191] : memref<16384x1000xf32, #tpu.memory_space<hbm>> -> memref<16x1000xf32, #tpu.memory_space<hbm>>
    %dma_start3A_193 = arith.constant 0 : i32
    %dma_start3A_194 = tpu.memref_slice %arg2[%multiple_of3A_190, %dma_start3A_193] : memref<16384x1000xf32, #tpu.memory_space<hbm>> -> memref<16x1000xf32, #tpu.memory_space<hbm>>
    tpu.enqueue_dma source(%dma_start3A_194 : memref<16x1000xf32, #tpu.memory_space<hbm>>) target(%arg9 : memref<16x1000xf32, #tpu.memory_space<vmem>>) target_semaphore(%arg12 : memref<!tpu.dma_semaphore, #tpu.memory_space<semaphore_mem>>)
    %dma_wait3A_195 = arith.constant 0 : i32
    %dma_wait3A_196 = tpu.memref_slice %arg2[%multiple_of3A_172, %dma_wait3A_195] : memref<16384x1000xf32, #tpu.memory_space<hbm>> -> memref<16x1000xf32, #tpu.memory_space<hbm>>
    %dma_wait3A_197 = arith.constant 0 : i32
    %dma_wait3A_198 = tpu.memref_slice %arg2[%multiple_of3A_172, %dma_wait3A_197] : memref<16384x1000xf32, #tpu.memory_space<hbm>> -> memref<16x1000xf32, #tpu.memory_space<hbm>>
    tpu.wait_dma2 semaphore(%arg11 : memref<!tpu.dma_semaphore, #tpu.memory_space<semaphore_mem>>) src(%dma_wait3A_198 : memref<16x1000xf32, #tpu.memory_space<hbm>>) dst(%arg8 : memref<16x1000xf32, #tpu.memory_space<vmem>>)
    %get3A_199 = arith.constant 160 : index
    %get3A_200 = tpu.vector_load %arg6[%get3A_199] {strides = array<i32>} : memref<192xi32, #tpu.memory_space<vmem>>, vector<16xi32>,
    %gather3A_201 = tpu.vector_load_idx %arg8[%iota3A, %get3A_200] : memref<16x1000xf32, #tpu.memory_space<vmem>>[vector<16xi32>, vector<16xi32>], vector<16xf32>,
    %get3A_202 = arith.constant 160 : index
    %get3A_203 = tpu.vector_load %arg7[%get3A_202] {strides = array<i32>} : memref<192xf32, #tpu.memory_space<vmem>>, vector<16xf32>,
    %mul3A_204 = arith.mulf %gather3A_201, %get3A_203 : vector<16xf32>
    %add3A_205 = arith.addf %add3A_187, %mul3A_204 : vector<16xf32>
    %dma_wait3A_206 = arith.constant 0 : i32
    %dma_wait3A_207 = tpu.memref_slice %arg2[%multiple_of3A_190, %dma_wait3A_206] : memref<16384x1000xf32, #tpu.memory_space<hbm>> -> memref<16x1000xf32, #tpu.memory_space<hbm>>
    %dma_wait3A_208 = arith.constant 0 : i32
    %dma_wait3A_209 = tpu.memref_slice %arg2[%multiple_of3A_190, %dma_wait3A_208] : memref<16384x1000xf32, #tpu.memory_space<hbm>> -> memref<16x1000xf32, #tpu.memory_space<hbm>>
    tpu.wait_dma2 semaphore(%arg12 : memref<!tpu.dma_semaphore, #tpu.memory_space<semaphore_mem>>) src(%dma_wait3A_209 : memref<16x1000xf32, #tpu.memory_space<hbm>>) dst(%arg9 : memref<16x1000xf32, #tpu.memory_space<vmem>>)
    %get3A_210 = arith.constant 176 : index
    %get3A_211 = tpu.vector_load %arg6[%get3A_210] {strides = array<i32>} : memref<192xi32, #tpu.memory_space<vmem>>, vector<16xi32>,
    %gather3A_212 = tpu.vector_load_idx %arg9[%iota3A, %get3A_211] : memref<16x1000xf32, #tpu.memory_space<vmem>>[vector<16xi32>, vector<16xi32>], vector<16xf32>,
    %get3A_213 = arith.constant 176 : index
    %get3A_214 = tpu.vector_load %arg7[%get3A_213] {strides = array<i32>} : memref<192xf32, #tpu.memory_space<vmem>>, vector<16xf32>,
    %mul3A_215 = arith.mulf %gather3A_212, %get3A_214 : vector<16xf32>
    %add3A_216 = arith.addf %add3A_205, %mul3A_215 : vector<16xf32>
    %swap3A = arith.constant 0 : index
    %swap3A_217 = tpu.vector_load %arg10[%swap3A] {strides = array<i32>} : memref<16xf32, #tpu.memory_space<vmem>>, vector<16xf32>,
    tpu.vector_store %arg10[%swap3A], %add3A_216 {strides = array<i32>} : memref<16xf32, #tpu.memory_space<vmem>>, vector<16xf32>,
    %mul3A_218 = arith.constant 16 : i32
    %mul3A_219 = arith.muli %add3A, %mul3A_218 : i32
    "tpu.region"() ({
      %run_scoped3A = tpu.sem_alloc : memref<!tpu.dma_semaphore, #tpu.memory_space<semaphore_mem>>
      %dma_start3A_220 = tpu.memref_slice %arg5[%mul3A_219] : memref<512xf32, #tpu.memory_space<hbm>> -> memref<16xf32, #tpu.memory_space<hbm>>
      %dma_start3A_221 = tpu.memref_slice %arg5[%mul3A_219] : memref<512xf32, #tpu.memory_space<hbm>> -> memref<16xf32, #tpu.memory_space<hbm>>
      tpu.enqueue_dma source(%arg10 : memref<16xf32, #tpu.memory_space<vmem>>) target(%dma_start3A_221 : memref<16xf32, #tpu.memory_space<hbm>>) target_semaphore(%run_scoped3A : memref<!tpu.dma_semaphore, #tpu.memory_space<semaphore_mem>>)
      %dma_wait3A_222 = tpu.memref_slice %arg5[%mul3A_219] : memref<512xf32, #tpu.memory_space<hbm>> -> memref<16xf32, #tpu.memory_space<hbm>>
      %dma_wait3A_223 = tpu.memref_slice %arg5[%mul3A_219] : memref<512xf32, #tpu.memory_space<hbm>> -> memref<16xf32, #tpu.memory_space<hbm>>
      tpu.wait_dma2 semaphore(%run_scoped3A : memref<!tpu.dma_semaphore, #tpu.memory_space<semaphore_mem>>) src(%arg10 : memref<16xf32, #tpu.memory_space<vmem>>) dst(%dma_wait3A_223 : memref<16xf32, #tpu.memory_space<hbm>>)
      tpu.yield
    }) : () -> ()
    return
  }
}

module attributes {stable_mosaic.version = 14 : i64} {
  func.func @_tc_body(%arg0: i32, %arg1: memref<16x128xi32, #tpu.memory_space<vmem>>, %arg2: memref<16x128xf32, #tpu.memory_space<vmem>>, %arg3: memref<2048x1000xf32, #tpu.memory_space<vmem>>, %arg4: memref<1x1xf32, #tpu.memory_space<smem>>) attributes {dimension_semantics = [#tpu.dimension_semantics<arbitrary>], iteration_bounds = array<i64: 5>, scalar_prefetch = 0 : i64, scratch_operands = 0 : i64, tpu.core_type = #tpu.core_type<tc>, window_params = [{transform_indices = @transform_0, window_bounds = array<i64: 16, 128>}, {transform_indices = @transform_1, window_bounds = array<i64: 16, 128>}, {transform_indices = @transform_2, window_bounds = array<i64: 2048, 1000>}, {transform_indices = @transform_3, window_bounds = array<i64: 1, 1>}]} {
    %get3A = arith.constant 0 : index
    %get3A_0 = arith.constant 0 : index
    %get3A_1 = vector.load %arg1[%get3A, %get3A_0] : memref<16x128xi32, #tpu.memory_space<vmem>>, vector<16x128xi32>
    %transpose3A = tpu.transpose %get3A_1, [1, 0] : vector<16x128xi32> -> vector<128x16xi32>
    %get3A_2 = arith.constant 0 : index
    %get3A_3 = arith.constant 0 : index
    %get3A_4 = vector.load %arg2[%get3A_2, %get3A_3] : memref<16x128xf32, #tpu.memory_space<vmem>>, vector<16x128xf32>
    %transpose3A_5 = tpu.transpose %get3A_4, [1, 0] : vector<16x128xf32> -> vector<128x16xf32>
    %iota3A = tpu.iota {dimensions = array<i32: 1>} : vector<128x1000xi32>
    %slice3A = vector.extract_strided_slice %transpose3A {offsets = [0, 0], sizes = [128, 1], strides = [1, 1]} : vector<128x16xi32> to vector<128x1xi32>
    %slice3A_6 = vector.extract_strided_slice %transpose3A_5 {offsets = [0, 0], sizes = [128, 1], strides = [1, 1]} : vector<128x16xf32> to vector<128x1xf32>
    %get3A_7 = arith.constant 0 : index
    %get3A_8 = arith.constant 0 : index
    %get3A_9 = vector.load %arg3[%get3A_7, %get3A_8] : memref<2048x1000xf32, #tpu.memory_space<vmem>>, vector<128x1000xf32>
    %broadcast_in_dim3A = vector.shape_cast %slice3A : vector<128x1xi32> to vector<128x1xi32>
    %broadcast_in_dim3A_10 = vector.broadcast %broadcast_in_dim3A : vector<128x1xi32> to vector<128x1000xi32>
    %broadcast_in_dim3A_11 = vector.shape_cast %slice3A_6 : vector<128x1xf32> to vector<128x1xf32>
    %broadcast_in_dim3A_12 = vector.broadcast %broadcast_in_dim3A_11 : vector<128x1xf32> to vector<128x1000xf32>
    %eq3A = arith.cmpi eq, %broadcast_in_dim3A_10, %iota3A : vector<128x1000xi32>
    %mul3A = arith.mulf %get3A_9, %broadcast_in_dim3A_12 : vector<128x1000xf32>
    %jit3A = arith.constant 0.000000e+00 : f32
    %broadcast_in_dim3A_13 = vector.broadcast %jit3A : f32 to vector<128x1000xf32>
    %select_n3A = arith.select %eq3A, %mul3A, %broadcast_in_dim3A_13 : vector<128x1000xi1>, vector<128x1000xf32>
    %reduce_sum3A = vector.shape_cast %select_n3A : vector<128x1000xf32> to vector<1x128x1000xf32>
    %reduce_sum3A_14 = arith.constant dense<0.000000e+00> : vector<1xf32>
    %reduce_sum3A_15 = vector.multi_reduction <add>, %reduce_sum3A, %reduce_sum3A_14 [1, 2] : vector<1x128x1000xf32> to vector<1xf32>
    %reduce_sum3A_16 = vector.shape_cast %reduce_sum3A_15 : vector<1xf32> to vector<1x1x1xf32>
    %reduce_sum3A_17 = vector.extract %reduce_sum3A_16[0, 0, 0] : f32 from vector<1x1x1xf32>
    %add3A = arith.constant 0.000000e+00 : f32
    %add3A_18 = arith.addf %add3A, %reduce_sum3A_17 : f32
    %slice3A_19 = vector.extract_strided_slice %transpose3A {offsets = [0, 1], sizes = [128, 1], strides = [1, 1]} : vector<128x16xi32> to vector<128x1xi32>
    %slice3A_20 = vector.extract_strided_slice %transpose3A_5 {offsets = [0, 1], sizes = [128, 1], strides = [1, 1]} : vector<128x16xf32> to vector<128x1xf32>
    %get3A_21 = arith.constant 128 : index
    %get3A_22 = arith.constant 0 : index
    %get3A_23 = vector.load %arg3[%get3A_21, %get3A_22] : memref<2048x1000xf32, #tpu.memory_space<vmem>>, vector<128x1000xf32>
    %broadcast_in_dim3A_24 = vector.shape_cast %slice3A_19 : vector<128x1xi32> to vector<128x1xi32>
    %broadcast_in_dim3A_25 = vector.broadcast %broadcast_in_dim3A_24 : vector<128x1xi32> to vector<128x1000xi32>
    %broadcast_in_dim3A_26 = vector.shape_cast %slice3A_20 : vector<128x1xf32> to vector<128x1xf32>
    %broadcast_in_dim3A_27 = vector.broadcast %broadcast_in_dim3A_26 : vector<128x1xf32> to vector<128x1000xf32>
    %eq3A_28 = arith.cmpi eq, %broadcast_in_dim3A_25, %iota3A : vector<128x1000xi32>
    %mul3A_29 = arith.mulf %get3A_23, %broadcast_in_dim3A_27 : vector<128x1000xf32>
    %jit3A_30 = arith.constant 0.000000e+00 : f32
    %broadcast_in_dim3A_31 = vector.broadcast %jit3A_30 : f32 to vector<128x1000xf32>
    %select_n3A_32 = arith.select %eq3A_28, %mul3A_29, %broadcast_in_dim3A_31 : vector<128x1000xi1>, vector<128x1000xf32>
    %reduce_sum3A_33 = vector.shape_cast %select_n3A_32 : vector<128x1000xf32> to vector<1x128x1000xf32>
    %reduce_sum3A_34 = arith.constant dense<0.000000e+00> : vector<1xf32>
    %reduce_sum3A_35 = vector.multi_reduction <add>, %reduce_sum3A_33, %reduce_sum3A_34 [1, 2] : vector<1x128x1000xf32> to vector<1xf32>
    %reduce_sum3A_36 = vector.shape_cast %reduce_sum3A_35 : vector<1xf32> to vector<1x1x1xf32>
    %reduce_sum3A_37 = vector.extract %reduce_sum3A_36[0, 0, 0] : f32 from vector<1x1x1xf32>
    %add3A_38 = arith.addf %add3A_18, %reduce_sum3A_37 : f32
    %slice3A_39 = vector.extract_strided_slice %transpose3A {offsets = [0, 2], sizes = [128, 1], strides = [1, 1]} : vector<128x16xi32> to vector<128x1xi32>
    %slice3A_40 = vector.extract_strided_slice %transpose3A_5 {offsets = [0, 2], sizes = [128, 1], strides = [1, 1]} : vector<128x16xf32> to vector<128x1xf32>
    %get3A_41 = arith.constant 256 : index
    %get3A_42 = arith.constant 0 : index
    %get3A_43 = vector.load %arg3[%get3A_41, %get3A_42] : memref<2048x1000xf32, #tpu.memory_space<vmem>>, vector<128x1000xf32>
    %broadcast_in_dim3A_44 = vector.shape_cast %slice3A_39 : vector<128x1xi32> to vector<128x1xi32>
    %broadcast_in_dim3A_45 = vector.broadcast %broadcast_in_dim3A_44 : vector<128x1xi32> to vector<128x1000xi32>
    %broadcast_in_dim3A_46 = vector.shape_cast %slice3A_40 : vector<128x1xf32> to vector<128x1xf32>
    %broadcast_in_dim3A_47 = vector.broadcast %broadcast_in_dim3A_46 : vector<128x1xf32> to vector<128x1000xf32>
    %eq3A_48 = arith.cmpi eq, %broadcast_in_dim3A_45, %iota3A : vector<128x1000xi32>
    %mul3A_49 = arith.mulf %get3A_43, %broadcast_in_dim3A_47 : vector<128x1000xf32>
    %jit3A_50 = arith.constant 0.000000e+00 : f32
    %broadcast_in_dim3A_51 = vector.broadcast %jit3A_50 : f32 to vector<128x1000xf32>
    %select_n3A_52 = arith.select %eq3A_48, %mul3A_49, %broadcast_in_dim3A_51 : vector<128x1000xi1>, vector<128x1000xf32>
    %reduce_sum3A_53 = vector.shape_cast %select_n3A_52 : vector<128x1000xf32> to vector<1x128x1000xf32>
    %reduce_sum3A_54 = arith.constant dense<0.000000e+00> : vector<1xf32>
    %reduce_sum3A_55 = vector.multi_reduction <add>, %reduce_sum3A_53, %reduce_sum3A_54 [1, 2] : vector<1x128x1000xf32> to vector<1xf32>
    %reduce_sum3A_56 = vector.shape_cast %reduce_sum3A_55 : vector<1xf32> to vector<1x1x1xf32>
    %reduce_sum3A_57 = vector.extract %reduce_sum3A_56[0, 0, 0] : f32 from vector<1x1x1xf32>
    %add3A_58 = arith.addf %add3A_38, %reduce_sum3A_57 : f32
    %slice3A_59 = vector.extract_strided_slice %transpose3A {offsets = [0, 3], sizes = [128, 1], strides = [1, 1]} : vector<128x16xi32> to vector<128x1xi32>
    %slice3A_60 = vector.extract_strided_slice %transpose3A_5 {offsets = [0, 3], sizes = [128, 1], strides = [1, 1]} : vector<128x16xf32> to vector<128x1xf32>
    %get3A_61 = arith.constant 384 : index
    %get3A_62 = arith.constant 0 : index
    %get3A_63 = vector.load %arg3[%get3A_61, %get3A_62] : memref<2048x1000xf32, #tpu.memory_space<vmem>>, vector<128x1000xf32>
    %broadcast_in_dim3A_64 = vector.shape_cast %slice3A_59 : vector<128x1xi32> to vector<128x1xi32>
    %broadcast_in_dim3A_65 = vector.broadcast %broadcast_in_dim3A_64 : vector<128x1xi32> to vector<128x1000xi32>
    %broadcast_in_dim3A_66 = vector.shape_cast %slice3A_60 : vector<128x1xf32> to vector<128x1xf32>
    %broadcast_in_dim3A_67 = vector.broadcast %broadcast_in_dim3A_66 : vector<128x1xf32> to vector<128x1000xf32>
    %eq3A_68 = arith.cmpi eq, %broadcast_in_dim3A_65, %iota3A : vector<128x1000xi32>
    %mul3A_69 = arith.mulf %get3A_63, %broadcast_in_dim3A_67 : vector<128x1000xf32>
    %jit3A_70 = arith.constant 0.000000e+00 : f32
    %broadcast_in_dim3A_71 = vector.broadcast %jit3A_70 : f32 to vector<128x1000xf32>
    %select_n3A_72 = arith.select %eq3A_68, %mul3A_69, %broadcast_in_dim3A_71 : vector<128x1000xi1>, vector<128x1000xf32>
    %reduce_sum3A_73 = vector.shape_cast %select_n3A_72 : vector<128x1000xf32> to vector<1x128x1000xf32>
    %reduce_sum3A_74 = arith.constant dense<0.000000e+00> : vector<1xf32>
    %reduce_sum3A_75 = vector.multi_reduction <add>, %reduce_sum3A_73, %reduce_sum3A_74 [1, 2] : vector<1x128x1000xf32> to vector<1xf32>
    %reduce_sum3A_76 = vector.shape_cast %reduce_sum3A_75 : vector<1xf32> to vector<1x1x1xf32>
    %reduce_sum3A_77 = vector.extract %reduce_sum3A_76[0, 0, 0] : f32 from vector<1x1x1xf32>
    %add3A_78 = arith.addf %add3A_58, %reduce_sum3A_77 : f32
    %slice3A_79 = vector.extract_strided_slice %transpose3A {offsets = [0, 4], sizes = [128, 1], strides = [1, 1]} : vector<128x16xi32> to vector<128x1xi32>
    %slice3A_80 = vector.extract_strided_slice %transpose3A_5 {offsets = [0, 4], sizes = [128, 1], strides = [1, 1]} : vector<128x16xf32> to vector<128x1xf32>
    %get3A_81 = arith.constant 512 : index
    %get3A_82 = arith.constant 0 : index
    %get3A_83 = vector.load %arg3[%get3A_81, %get3A_82] : memref<2048x1000xf32, #tpu.memory_space<vmem>>, vector<128x1000xf32>
    %broadcast_in_dim3A_84 = vector.shape_cast %slice3A_79 : vector<128x1xi32> to vector<128x1xi32>
    %broadcast_in_dim3A_85 = vector.broadcast %broadcast_in_dim3A_84 : vector<128x1xi32> to vector<128x1000xi32>
    %broadcast_in_dim3A_86 = vector.shape_cast %slice3A_80 : vector<128x1xf32> to vector<128x1xf32>
    %broadcast_in_dim3A_87 = vector.broadcast %broadcast_in_dim3A_86 : vector<128x1xf32> to vector<128x1000xf32>
    %eq3A_88 = arith.cmpi eq, %broadcast_in_dim3A_85, %iota3A : vector<128x1000xi32>
    %mul3A_89 = arith.mulf %get3A_83, %broadcast_in_dim3A_87 : vector<128x1000xf32>
    %jit3A_90 = arith.constant 0.000000e+00 : f32
    %broadcast_in_dim3A_91 = vector.broadcast %jit3A_90 : f32 to vector<128x1000xf32>
    %select_n3A_92 = arith.select %eq3A_88, %mul3A_89, %broadcast_in_dim3A_91 : vector<128x1000xi1>, vector<128x1000xf32>
    %reduce_sum3A_93 = vector.shape_cast %select_n3A_92 : vector<128x1000xf32> to vector<1x128x1000xf32>
    %reduce_sum3A_94 = arith.constant dense<0.000000e+00> : vector<1xf32>
    %reduce_sum3A_95 = vector.multi_reduction <add>, %reduce_sum3A_93, %reduce_sum3A_94 [1, 2] : vector<1x128x1000xf32> to vector<1xf32>
    %reduce_sum3A_96 = vector.shape_cast %reduce_sum3A_95 : vector<1xf32> to vector<1x1x1xf32>
    %reduce_sum3A_97 = vector.extract %reduce_sum3A_96[0, 0, 0] : f32 from vector<1x1x1xf32>
    %add3A_98 = arith.addf %add3A_78, %reduce_sum3A_97 : f32
    %slice3A_99 = vector.extract_strided_slice %transpose3A {offsets = [0, 5], sizes = [128, 1], strides = [1, 1]} : vector<128x16xi32> to vector<128x1xi32>
    %slice3A_100 = vector.extract_strided_slice %transpose3A_5 {offsets = [0, 5], sizes = [128, 1], strides = [1, 1]} : vector<128x16xf32> to vector<128x1xf32>
    %get3A_101 = arith.constant 640 : index
    %get3A_102 = arith.constant 0 : index
    %get3A_103 = vector.load %arg3[%get3A_101, %get3A_102] : memref<2048x1000xf32, #tpu.memory_space<vmem>>, vector<128x1000xf32>
    %broadcast_in_dim3A_104 = vector.shape_cast %slice3A_99 : vector<128x1xi32> to vector<128x1xi32>
    %broadcast_in_dim3A_105 = vector.broadcast %broadcast_in_dim3A_104 : vector<128x1xi32> to vector<128x1000xi32>
    %broadcast_in_dim3A_106 = vector.shape_cast %slice3A_100 : vector<128x1xf32> to vector<128x1xf32>
    %broadcast_in_dim3A_107 = vector.broadcast %broadcast_in_dim3A_106 : vector<128x1xf32> to vector<128x1000xf32>
    %eq3A_108 = arith.cmpi eq, %broadcast_in_dim3A_105, %iota3A : vector<128x1000xi32>
    %mul3A_109 = arith.mulf %get3A_103, %broadcast_in_dim3A_107 : vector<128x1000xf32>
    %jit3A_110 = arith.constant 0.000000e+00 : f32
    %broadcast_in_dim3A_111 = vector.broadcast %jit3A_110 : f32 to vector<128x1000xf32>
    %select_n3A_112 = arith.select %eq3A_108, %mul3A_109, %broadcast_in_dim3A_111 : vector<128x1000xi1>, vector<128x1000xf32>
    %reduce_sum3A_113 = vector.shape_cast %select_n3A_112 : vector<128x1000xf32> to vector<1x128x1000xf32>
    %reduce_sum3A_114 = arith.constant dense<0.000000e+00> : vector<1xf32>
    %reduce_sum3A_115 = vector.multi_reduction <add>, %reduce_sum3A_113, %reduce_sum3A_114 [1, 2] : vector<1x128x1000xf32> to vector<1xf32>
    %reduce_sum3A_116 = vector.shape_cast %reduce_sum3A_115 : vector<1xf32> to vector<1x1x1xf32>
    %reduce_sum3A_117 = vector.extract %reduce_sum3A_116[0, 0, 0] : f32 from vector<1x1x1xf32>
    %add3A_118 = arith.addf %add3A_98, %reduce_sum3A_117 : f32
    %slice3A_119 = vector.extract_strided_slice %transpose3A {offsets = [0, 6], sizes = [128, 1], strides = [1, 1]} : vector<128x16xi32> to vector<128x1xi32>
    %slice3A_120 = vector.extract_strided_slice %transpose3A_5 {offsets = [0, 6], sizes = [128, 1], strides = [1, 1]} : vector<128x16xf32> to vector<128x1xf32>
    %get3A_121 = arith.constant 768 : index
    %get3A_122 = arith.constant 0 : index
    %get3A_123 = vector.load %arg3[%get3A_121, %get3A_122] : memref<2048x1000xf32, #tpu.memory_space<vmem>>, vector<128x1000xf32>
    %broadcast_in_dim3A_124 = vector.shape_cast %slice3A_119 : vector<128x1xi32> to vector<128x1xi32>
    %broadcast_in_dim3A_125 = vector.broadcast %broadcast_in_dim3A_124 : vector<128x1xi32> to vector<128x1000xi32>
    %broadcast_in_dim3A_126 = vector.shape_cast %slice3A_120 : vector<128x1xf32> to vector<128x1xf32>
    %broadcast_in_dim3A_127 = vector.broadcast %broadcast_in_dim3A_126 : vector<128x1xf32> to vector<128x1000xf32>
    %eq3A_128 = arith.cmpi eq, %broadcast_in_dim3A_125, %iota3A : vector<128x1000xi32>
    %mul3A_129 = arith.mulf %get3A_123, %broadcast_in_dim3A_127 : vector<128x1000xf32>
    %jit3A_130 = arith.constant 0.000000e+00 : f32
    %broadcast_in_dim3A_131 = vector.broadcast %jit3A_130 : f32 to vector<128x1000xf32>
    %select_n3A_132 = arith.select %eq3A_128, %mul3A_129, %broadcast_in_dim3A_131 : vector<128x1000xi1>, vector<128x1000xf32>
    %reduce_sum3A_133 = vector.shape_cast %select_n3A_132 : vector<128x1000xf32> to vector<1x128x1000xf32>
    %reduce_sum3A_134 = arith.constant dense<0.000000e+00> : vector<1xf32>
    %reduce_sum3A_135 = vector.multi_reduction <add>, %reduce_sum3A_133, %reduce_sum3A_134 [1, 2] : vector<1x128x1000xf32> to vector<1xf32>
    %reduce_sum3A_136 = vector.shape_cast %reduce_sum3A_135 : vector<1xf32> to vector<1x1x1xf32>
    %reduce_sum3A_137 = vector.extract %reduce_sum3A_136[0, 0, 0] : f32 from vector<1x1x1xf32>
    %add3A_138 = arith.addf %add3A_118, %reduce_sum3A_137 : f32
    %slice3A_139 = vector.extract_strided_slice %transpose3A {offsets = [0, 7], sizes = [128, 1], strides = [1, 1]} : vector<128x16xi32> to vector<128x1xi32>
    %slice3A_140 = vector.extract_strided_slice %transpose3A_5 {offsets = [0, 7], sizes = [128, 1], strides = [1, 1]} : vector<128x16xf32> to vector<128x1xf32>
    %get3A_141 = arith.constant 896 : index
    %get3A_142 = arith.constant 0 : index
    %get3A_143 = vector.load %arg3[%get3A_141, %get3A_142] : memref<2048x1000xf32, #tpu.memory_space<vmem>>, vector<128x1000xf32>
    %broadcast_in_dim3A_144 = vector.shape_cast %slice3A_139 : vector<128x1xi32> to vector<128x1xi32>
    %broadcast_in_dim3A_145 = vector.broadcast %broadcast_in_dim3A_144 : vector<128x1xi32> to vector<128x1000xi32>
    %broadcast_in_dim3A_146 = vector.shape_cast %slice3A_140 : vector<128x1xf32> to vector<128x1xf32>
    %broadcast_in_dim3A_147 = vector.broadcast %broadcast_in_dim3A_146 : vector<128x1xf32> to vector<128x1000xf32>
    %eq3A_148 = arith.cmpi eq, %broadcast_in_dim3A_145, %iota3A : vector<128x1000xi32>
    %mul3A_149 = arith.mulf %get3A_143, %broadcast_in_dim3A_147 : vector<128x1000xf32>
    %jit3A_150 = arith.constant 0.000000e+00 : f32
    %broadcast_in_dim3A_151 = vector.broadcast %jit3A_150 : f32 to vector<128x1000xf32>
    %select_n3A_152 = arith.select %eq3A_148, %mul3A_149, %broadcast_in_dim3A_151 : vector<128x1000xi1>, vector<128x1000xf32>
    %reduce_sum3A_153 = vector.shape_cast %select_n3A_152 : vector<128x1000xf32> to vector<1x128x1000xf32>
    %reduce_sum3A_154 = arith.constant dense<0.000000e+00> : vector<1xf32>
    %reduce_sum3A_155 = vector.multi_reduction <add>, %reduce_sum3A_153, %reduce_sum3A_154 [1, 2] : vector<1x128x1000xf32> to vector<1xf32>
    %reduce_sum3A_156 = vector.shape_cast %reduce_sum3A_155 : vector<1xf32> to vector<1x1x1xf32>
    %reduce_sum3A_157 = vector.extract %reduce_sum3A_156[0, 0, 0] : f32 from vector<1x1x1xf32>
    %add3A_158 = arith.addf %add3A_138, %reduce_sum3A_157 : f32
    %slice3A_159 = vector.extract_strided_slice %transpose3A {offsets = [0, 8], sizes = [128, 1], strides = [1, 1]} : vector<128x16xi32> to vector<128x1xi32>
    %slice3A_160 = vector.extract_strided_slice %transpose3A_5 {offsets = [0, 8], sizes = [128, 1], strides = [1, 1]} : vector<128x16xf32> to vector<128x1xf32>
    %get3A_161 = arith.constant 1024 : index
    %get3A_162 = arith.constant 0 : index
    %get3A_163 = vector.load %arg3[%get3A_161, %get3A_162] : memref<2048x1000xf32, #tpu.memory_space<vmem>>, vector<128x1000xf32>
    %broadcast_in_dim3A_164 = vector.shape_cast %slice3A_159 : vector<128x1xi32> to vector<128x1xi32>
    %broadcast_in_dim3A_165 = vector.broadcast %broadcast_in_dim3A_164 : vector<128x1xi32> to vector<128x1000xi32>
    %broadcast_in_dim3A_166 = vector.shape_cast %slice3A_160 : vector<128x1xf32> to vector<128x1xf32>
    %broadcast_in_dim3A_167 = vector.broadcast %broadcast_in_dim3A_166 : vector<128x1xf32> to vector<128x1000xf32>
    %eq3A_168 = arith.cmpi eq, %broadcast_in_dim3A_165, %iota3A : vector<128x1000xi32>
    %mul3A_169 = arith.mulf %get3A_163, %broadcast_in_dim3A_167 : vector<128x1000xf32>
    %jit3A_170 = arith.constant 0.000000e+00 : f32
    %broadcast_in_dim3A_171 = vector.broadcast %jit3A_170 : f32 to vector<128x1000xf32>
    %select_n3A_172 = arith.select %eq3A_168, %mul3A_169, %broadcast_in_dim3A_171 : vector<128x1000xi1>, vector<128x1000xf32>
    %reduce_sum3A_173 = vector.shape_cast %select_n3A_172 : vector<128x1000xf32> to vector<1x128x1000xf32>
    %reduce_sum3A_174 = arith.constant dense<0.000000e+00> : vector<1xf32>
    %reduce_sum3A_175 = vector.multi_reduction <add>, %reduce_sum3A_173, %reduce_sum3A_174 [1, 2] : vector<1x128x1000xf32> to vector<1xf32>
    %reduce_sum3A_176 = vector.shape_cast %reduce_sum3A_175 : vector<1xf32> to vector<1x1x1xf32>
    %reduce_sum3A_177 = vector.extract %reduce_sum3A_176[0, 0, 0] : f32 from vector<1x1x1xf32>
    %add3A_178 = arith.addf %add3A_158, %reduce_sum3A_177 : f32
    %slice3A_179 = vector.extract_strided_slice %transpose3A {offsets = [0, 9], sizes = [128, 1], strides = [1, 1]} : vector<128x16xi32> to vector<128x1xi32>
    %slice3A_180 = vector.extract_strided_slice %transpose3A_5 {offsets = [0, 9], sizes = [128, 1], strides = [1, 1]} : vector<128x16xf32> to vector<128x1xf32>
    %get3A_181 = arith.constant 1152 : index
    %get3A_182 = arith.constant 0 : index
    %get3A_183 = vector.load %arg3[%get3A_181, %get3A_182] : memref<2048x1000xf32, #tpu.memory_space<vmem>>, vector<128x1000xf32>
    %broadcast_in_dim3A_184 = vector.shape_cast %slice3A_179 : vector<128x1xi32> to vector<128x1xi32>
    %broadcast_in_dim3A_185 = vector.broadcast %broadcast_in_dim3A_184 : vector<128x1xi32> to vector<128x1000xi32>
    %broadcast_in_dim3A_186 = vector.shape_cast %slice3A_180 : vector<128x1xf32> to vector<128x1xf32>
    %broadcast_in_dim3A_187 = vector.broadcast %broadcast_in_dim3A_186 : vector<128x1xf32> to vector<128x1000xf32>
    %eq3A_188 = arith.cmpi eq, %broadcast_in_dim3A_185, %iota3A : vector<128x1000xi32>
    %mul3A_189 = arith.mulf %get3A_183, %broadcast_in_dim3A_187 : vector<128x1000xf32>
    %jit3A_190 = arith.constant 0.000000e+00 : f32
    %broadcast_in_dim3A_191 = vector.broadcast %jit3A_190 : f32 to vector<128x1000xf32>
    %select_n3A_192 = arith.select %eq3A_188, %mul3A_189, %broadcast_in_dim3A_191 : vector<128x1000xi1>, vector<128x1000xf32>
    %reduce_sum3A_193 = vector.shape_cast %select_n3A_192 : vector<128x1000xf32> to vector<1x128x1000xf32>
    %reduce_sum3A_194 = arith.constant dense<0.000000e+00> : vector<1xf32>
    %reduce_sum3A_195 = vector.multi_reduction <add>, %reduce_sum3A_193, %reduce_sum3A_194 [1, 2] : vector<1x128x1000xf32> to vector<1xf32>
    %reduce_sum3A_196 = vector.shape_cast %reduce_sum3A_195 : vector<1xf32> to vector<1x1x1xf32>
    %reduce_sum3A_197 = vector.extract %reduce_sum3A_196[0, 0, 0] : f32 from vector<1x1x1xf32>
    %add3A_198 = arith.addf %add3A_178, %reduce_sum3A_197 : f32
    %slice3A_199 = vector.extract_strided_slice %transpose3A {offsets = [0, 10], sizes = [128, 1], strides = [1, 1]} : vector<128x16xi32> to vector<128x1xi32>
    %slice3A_200 = vector.extract_strided_slice %transpose3A_5 {offsets = [0, 10], sizes = [128, 1], strides = [1, 1]} : vector<128x16xf32> to vector<128x1xf32>
    %get3A_201 = arith.constant 1280 : index
    %get3A_202 = arith.constant 0 : index
    %get3A_203 = vector.load %arg3[%get3A_201, %get3A_202] : memref<2048x1000xf32, #tpu.memory_space<vmem>>, vector<128x1000xf32>
    %broadcast_in_dim3A_204 = vector.shape_cast %slice3A_199 : vector<128x1xi32> to vector<128x1xi32>
    %broadcast_in_dim3A_205 = vector.broadcast %broadcast_in_dim3A_204 : vector<128x1xi32> to vector<128x1000xi32>
    %broadcast_in_dim3A_206 = vector.shape_cast %slice3A_200 : vector<128x1xf32> to vector<128x1xf32>
    %broadcast_in_dim3A_207 = vector.broadcast %broadcast_in_dim3A_206 : vector<128x1xf32> to vector<128x1000xf32>
    %eq3A_208 = arith.cmpi eq, %broadcast_in_dim3A_205, %iota3A : vector<128x1000xi32>
    %mul3A_209 = arith.mulf %get3A_203, %broadcast_in_dim3A_207 : vector<128x1000xf32>
    %jit3A_210 = arith.constant 0.000000e+00 : f32
    %broadcast_in_dim3A_211 = vector.broadcast %jit3A_210 : f32 to vector<128x1000xf32>
    %select_n3A_212 = arith.select %eq3A_208, %mul3A_209, %broadcast_in_dim3A_211 : vector<128x1000xi1>, vector<128x1000xf32>
    %reduce_sum3A_213 = vector.shape_cast %select_n3A_212 : vector<128x1000xf32> to vector<1x128x1000xf32>
    %reduce_sum3A_214 = arith.constant dense<0.000000e+00> : vector<1xf32>
    %reduce_sum3A_215 = vector.multi_reduction <add>, %reduce_sum3A_213, %reduce_sum3A_214 [1, 2] : vector<1x128x1000xf32> to vector<1xf32>
    %reduce_sum3A_216 = vector.shape_cast %reduce_sum3A_215 : vector<1xf32> to vector<1x1x1xf32>
    %reduce_sum3A_217 = vector.extract %reduce_sum3A_216[0, 0, 0] : f32 from vector<1x1x1xf32>
    %add3A_218 = arith.addf %add3A_198, %reduce_sum3A_217 : f32
    %slice3A_219 = vector.extract_strided_slice %transpose3A {offsets = [0, 11], sizes = [128, 1], strides = [1, 1]} : vector<128x16xi32> to vector<128x1xi32>
    %slice3A_220 = vector.extract_strided_slice %transpose3A_5 {offsets = [0, 11], sizes = [128, 1], strides = [1, 1]} : vector<128x16xf32> to vector<128x1xf32>
    %get3A_221 = arith.constant 1408 : index
    %get3A_222 = arith.constant 0 : index
    %get3A_223 = vector.load %arg3[%get3A_221, %get3A_222] : memref<2048x1000xf32, #tpu.memory_space<vmem>>, vector<128x1000xf32>
    %broadcast_in_dim3A_224 = vector.shape_cast %slice3A_219 : vector<128x1xi32> to vector<128x1xi32>
    %broadcast_in_dim3A_225 = vector.broadcast %broadcast_in_dim3A_224 : vector<128x1xi32> to vector<128x1000xi32>
    %broadcast_in_dim3A_226 = vector.shape_cast %slice3A_220 : vector<128x1xf32> to vector<128x1xf32>
    %broadcast_in_dim3A_227 = vector.broadcast %broadcast_in_dim3A_226 : vector<128x1xf32> to vector<128x1000xf32>
    %eq3A_228 = arith.cmpi eq, %broadcast_in_dim3A_225, %iota3A : vector<128x1000xi32>
    %mul3A_229 = arith.mulf %get3A_223, %broadcast_in_dim3A_227 : vector<128x1000xf32>
    %jit3A_230 = arith.constant 0.000000e+00 : f32
    %broadcast_in_dim3A_231 = vector.broadcast %jit3A_230 : f32 to vector<128x1000xf32>
    %select_n3A_232 = arith.select %eq3A_228, %mul3A_229, %broadcast_in_dim3A_231 : vector<128x1000xi1>, vector<128x1000xf32>
    %reduce_sum3A_233 = vector.shape_cast %select_n3A_232 : vector<128x1000xf32> to vector<1x128x1000xf32>
    %reduce_sum3A_234 = arith.constant dense<0.000000e+00> : vector<1xf32>
    %reduce_sum3A_235 = vector.multi_reduction <add>, %reduce_sum3A_233, %reduce_sum3A_234 [1, 2] : vector<1x128x1000xf32> to vector<1xf32>
    %reduce_sum3A_236 = vector.shape_cast %reduce_sum3A_235 : vector<1xf32> to vector<1x1x1xf32>
    %reduce_sum3A_237 = vector.extract %reduce_sum3A_236[0, 0, 0] : f32 from vector<1x1x1xf32>
    %add3A_238 = arith.addf %add3A_218, %reduce_sum3A_237 : f32
    %slice3A_239 = vector.extract_strided_slice %transpose3A {offsets = [0, 12], sizes = [128, 1], strides = [1, 1]} : vector<128x16xi32> to vector<128x1xi32>
    %slice3A_240 = vector.extract_strided_slice %transpose3A_5 {offsets = [0, 12], sizes = [128, 1], strides = [1, 1]} : vector<128x16xf32> to vector<128x1xf32>
    %get3A_241 = arith.constant 1536 : index
    %get3A_242 = arith.constant 0 : index
    %get3A_243 = vector.load %arg3[%get3A_241, %get3A_242] : memref<2048x1000xf32, #tpu.memory_space<vmem>>, vector<128x1000xf32>
    %broadcast_in_dim3A_244 = vector.shape_cast %slice3A_239 : vector<128x1xi32> to vector<128x1xi32>
    %broadcast_in_dim3A_245 = vector.broadcast %broadcast_in_dim3A_244 : vector<128x1xi32> to vector<128x1000xi32>
    %broadcast_in_dim3A_246 = vector.shape_cast %slice3A_240 : vector<128x1xf32> to vector<128x1xf32>
    %broadcast_in_dim3A_247 = vector.broadcast %broadcast_in_dim3A_246 : vector<128x1xf32> to vector<128x1000xf32>
    %eq3A_248 = arith.cmpi eq, %broadcast_in_dim3A_245, %iota3A : vector<128x1000xi32>
    %mul3A_249 = arith.mulf %get3A_243, %broadcast_in_dim3A_247 : vector<128x1000xf32>
    %jit3A_250 = arith.constant 0.000000e+00 : f32
    %broadcast_in_dim3A_251 = vector.broadcast %jit3A_250 : f32 to vector<128x1000xf32>
    %select_n3A_252 = arith.select %eq3A_248, %mul3A_249, %broadcast_in_dim3A_251 : vector<128x1000xi1>, vector<128x1000xf32>
    %reduce_sum3A_253 = vector.shape_cast %select_n3A_252 : vector<128x1000xf32> to vector<1x128x1000xf32>
    %reduce_sum3A_254 = arith.constant dense<0.000000e+00> : vector<1xf32>
    %reduce_sum3A_255 = vector.multi_reduction <add>, %reduce_sum3A_253, %reduce_sum3A_254 [1, 2] : vector<1x128x1000xf32> to vector<1xf32>
    %reduce_sum3A_256 = vector.shape_cast %reduce_sum3A_255 : vector<1xf32> to vector<1x1x1xf32>
    %reduce_sum3A_257 = vector.extract %reduce_sum3A_256[0, 0, 0] : f32 from vector<1x1x1xf32>
    %add3A_258 = arith.addf %add3A_238, %reduce_sum3A_257 : f32
    %slice3A_259 = vector.extract_strided_slice %transpose3A {offsets = [0, 13], sizes = [128, 1], strides = [1, 1]} : vector<128x16xi32> to vector<128x1xi32>
    %slice3A_260 = vector.extract_strided_slice %transpose3A_5 {offsets = [0, 13], sizes = [128, 1], strides = [1, 1]} : vector<128x16xf32> to vector<128x1xf32>
    %get3A_261 = arith.constant 1664 : index
    %get3A_262 = arith.constant 0 : index
    %get3A_263 = vector.load %arg3[%get3A_261, %get3A_262] : memref<2048x1000xf32, #tpu.memory_space<vmem>>, vector<128x1000xf32>
    %broadcast_in_dim3A_264 = vector.shape_cast %slice3A_259 : vector<128x1xi32> to vector<128x1xi32>
    %broadcast_in_dim3A_265 = vector.broadcast %broadcast_in_dim3A_264 : vector<128x1xi32> to vector<128x1000xi32>
    %broadcast_in_dim3A_266 = vector.shape_cast %slice3A_260 : vector<128x1xf32> to vector<128x1xf32>
    %broadcast_in_dim3A_267 = vector.broadcast %broadcast_in_dim3A_266 : vector<128x1xf32> to vector<128x1000xf32>
    %eq3A_268 = arith.cmpi eq, %broadcast_in_dim3A_265, %iota3A : vector<128x1000xi32>
    %mul3A_269 = arith.mulf %get3A_263, %broadcast_in_dim3A_267 : vector<128x1000xf32>
    %jit3A_270 = arith.constant 0.000000e+00 : f32
    %broadcast_in_dim3A_271 = vector.broadcast %jit3A_270 : f32 to vector<128x1000xf32>
    %select_n3A_272 = arith.select %eq3A_268, %mul3A_269, %broadcast_in_dim3A_271 : vector<128x1000xi1>, vector<128x1000xf32>
    %reduce_sum3A_273 = vector.shape_cast %select_n3A_272 : vector<128x1000xf32> to vector<1x128x1000xf32>
    %reduce_sum3A_274 = arith.constant dense<0.000000e+00> : vector<1xf32>
    %reduce_sum3A_275 = vector.multi_reduction <add>, %reduce_sum3A_273, %reduce_sum3A_274 [1, 2] : vector<1x128x1000xf32> to vector<1xf32>
    %reduce_sum3A_276 = vector.shape_cast %reduce_sum3A_275 : vector<1xf32> to vector<1x1x1xf32>
    %reduce_sum3A_277 = vector.extract %reduce_sum3A_276[0, 0, 0] : f32 from vector<1x1x1xf32>
    %add3A_278 = arith.addf %add3A_258, %reduce_sum3A_277 : f32
    %slice3A_279 = vector.extract_strided_slice %transpose3A {offsets = [0, 14], sizes = [128, 1], strides = [1, 1]} : vector<128x16xi32> to vector<128x1xi32>
    %slice3A_280 = vector.extract_strided_slice %transpose3A_5 {offsets = [0, 14], sizes = [128, 1], strides = [1, 1]} : vector<128x16xf32> to vector<128x1xf32>
    %get3A_281 = arith.constant 1792 : index
    %get3A_282 = arith.constant 0 : index
    %get3A_283 = vector.load %arg3[%get3A_281, %get3A_282] : memref<2048x1000xf32, #tpu.memory_space<vmem>>, vector<128x1000xf32>
    %broadcast_in_dim3A_284 = vector.shape_cast %slice3A_279 : vector<128x1xi32> to vector<128x1xi32>
    %broadcast_in_dim3A_285 = vector.broadcast %broadcast_in_dim3A_284 : vector<128x1xi32> to vector<128x1000xi32>
    %broadcast_in_dim3A_286 = vector.shape_cast %slice3A_280 : vector<128x1xf32> to vector<128x1xf32>
    %broadcast_in_dim3A_287 = vector.broadcast %broadcast_in_dim3A_286 : vector<128x1xf32> to vector<128x1000xf32>
    %eq3A_288 = arith.cmpi eq, %broadcast_in_dim3A_285, %iota3A : vector<128x1000xi32>
    %mul3A_289 = arith.mulf %get3A_283, %broadcast_in_dim3A_287 : vector<128x1000xf32>
    %jit3A_290 = arith.constant 0.000000e+00 : f32
    %broadcast_in_dim3A_291 = vector.broadcast %jit3A_290 : f32 to vector<128x1000xf32>
    %select_n3A_292 = arith.select %eq3A_288, %mul3A_289, %broadcast_in_dim3A_291 : vector<128x1000xi1>, vector<128x1000xf32>
    %reduce_sum3A_293 = vector.shape_cast %select_n3A_292 : vector<128x1000xf32> to vector<1x128x1000xf32>
    %reduce_sum3A_294 = arith.constant dense<0.000000e+00> : vector<1xf32>
    %reduce_sum3A_295 = vector.multi_reduction <add>, %reduce_sum3A_293, %reduce_sum3A_294 [1, 2] : vector<1x128x1000xf32> to vector<1xf32>
    %reduce_sum3A_296 = vector.shape_cast %reduce_sum3A_295 : vector<1xf32> to vector<1x1x1xf32>
    %reduce_sum3A_297 = vector.extract %reduce_sum3A_296[0, 0, 0] : f32 from vector<1x1x1xf32>
    %add3A_298 = arith.addf %add3A_278, %reduce_sum3A_297 : f32
    %slice3A_299 = vector.extract_strided_slice %transpose3A {offsets = [0, 15], sizes = [128, 1], strides = [1, 1]} : vector<128x16xi32> to vector<128x1xi32>
    %slice3A_300 = vector.extract_strided_slice %transpose3A_5 {offsets = [0, 15], sizes = [128, 1], strides = [1, 1]} : vector<128x16xf32> to vector<128x1xf32>
    %get3A_301 = arith.constant 1920 : index
    %get3A_302 = arith.constant 0 : index
    %get3A_303 = vector.load %arg3[%get3A_301, %get3A_302] : memref<2048x1000xf32, #tpu.memory_space<vmem>>, vector<128x1000xf32>
    %broadcast_in_dim3A_304 = vector.shape_cast %slice3A_299 : vector<128x1xi32> to vector<128x1xi32>
    %broadcast_in_dim3A_305 = vector.broadcast %broadcast_in_dim3A_304 : vector<128x1xi32> to vector<128x1000xi32>
    %broadcast_in_dim3A_306 = vector.shape_cast %slice3A_300 : vector<128x1xf32> to vector<128x1xf32>
    %broadcast_in_dim3A_307 = vector.broadcast %broadcast_in_dim3A_306 : vector<128x1xf32> to vector<128x1000xf32>
    %eq3A_308 = arith.cmpi eq, %broadcast_in_dim3A_305, %iota3A : vector<128x1000xi32>
    %mul3A_309 = arith.mulf %get3A_303, %broadcast_in_dim3A_307 : vector<128x1000xf32>
    %jit3A_310 = arith.constant 0.000000e+00 : f32
    %broadcast_in_dim3A_311 = vector.broadcast %jit3A_310 : f32 to vector<128x1000xf32>
    %select_n3A_312 = arith.select %eq3A_308, %mul3A_309, %broadcast_in_dim3A_311 : vector<128x1000xi1>, vector<128x1000xf32>
    %reduce_sum3A_313 = vector.shape_cast %select_n3A_312 : vector<128x1000xf32> to vector<1x128x1000xf32>
    %reduce_sum3A_314 = arith.constant dense<0.000000e+00> : vector<1xf32>
    %reduce_sum3A_315 = vector.multi_reduction <add>, %reduce_sum3A_313, %reduce_sum3A_314 [1, 2] : vector<1x128x1000xf32> to vector<1xf32>
    %reduce_sum3A_316 = vector.shape_cast %reduce_sum3A_315 : vector<1xf32> to vector<1x1x1xf32>
    %reduce_sum3A_317 = vector.extract %reduce_sum3A_316[0, 0, 0] : f32 from vector<1x1x1xf32>
    %add3A_318 = arith.addf %add3A_298, %reduce_sum3A_317 : f32
    %eq3A_319 = arith.constant 0 : i32
    %eq3A_320 = arith.cmpi eq, %arg0, %eq3A_319 : i32
    %convert_element_type3A = arith.extui %eq3A_320 : i1 to i32
    %cond3A = arith.constant 0 : i32
    %cond3A_321 = arith.cmpi ne, %convert_element_type3A, %cond3A : i32
    scf.if %cond3A_321 {
      %swap3A_328 = arith.constant 0.000000e+00 : f32
      %swap3A_329 = arith.constant 0 : index
      %swap3A_330 = arith.constant 0 : index
      %swap3A_331 = memref.load %arg4[%swap3A_329, %swap3A_330] : memref<1x1xf32, #tpu.memory_space<smem>>
      memref.store %swap3A_328, %arg4[%swap3A_329, %swap3A_330] : memref<1x1xf32, #tpu.memory_space<smem>>
    } else {
    }
    %get3A_322 = arith.constant 0 : index
    %get3A_323 = arith.constant 0 : index
    %get3A_324 = memref.load %arg4[%get3A_322, %get3A_323] : memref<1x1xf32, #tpu.memory_space<smem>>
    %add3A_325 = arith.addf %get3A_324, %add3A_318 : f32
    %swap3A = arith.constant 0 : index
    %swap3A_326 = arith.constant 0 : index
    %swap3A_327 = memref.load %arg4[%swap3A, %swap3A_326] : memref<1x1xf32, #tpu.memory_space<smem>>
    memref.store %add3A_325, %arg4[%swap3A, %swap3A_326] : memref<1x1xf32, #tpu.memory_space<smem>>
    return
  }
  func.func @transform_0(%arg0: i32) -> (i32, i32) {
    %c0_i32 = arith.constant 0 : i32
    %c0_i32_0 = arith.constant 0 : i32
    return %arg0, %c0_i32 : i32, i32
  }
  func.func @transform_1(%arg0: i32) -> (i32, i32) {
    %c0_i32 = arith.constant 0 : i32
    %c0_i32_0 = arith.constant 0 : i32
    return %arg0, %c0_i32 : i32, i32
  }
  func.func @transform_2(%arg0: i32) -> (i32, i32) {
    %c0_i32 = arith.constant 0 : i32
    %c0_i32_0 = arith.constant 0 : i32
    return %arg0, %c0_i32 : i32, i32
  }
  func.func @transform_3(%arg0: i32) -> (i32, i32) {
    %c0_i32 = arith.constant 0 : i32
    %c0_i32_0 = arith.constant 0 : i32
    %c0_i32_1 = arith.constant 0 : i32
    return %c0_i32, %c0_i32_0 : i32, i32
  }
}

</mosaic_0001>

<sc_bundles>
// kernel: kernel.4.cloned.1.call-start
scs
__scs_entry_jumppad:
0x0: {  	(pc) =	sbr.rel $0x88, $3  }
0x1: {  	(tag) =	ssettag $0x0;
	lr =	simm.s32 $0x1  }
0x2: {  	[smem:$0x3F9E] =	sst lr;
	_ =	strace $0xD0000000  }
0x3: {  	_ = 	snop  }
0x4: {  	_ = 	snop  }
0x5: {  	_ = 	snop  }
0x6: {  	_ = 	snop  }
0x7: {  	_ = 	snop  }
__scs_overlays_trampoline_lowered:
0x8: {  	[smem:$0x3FAD] =	sst s0  }
0x9: {  	[smem:$0x3FAE] =	sst s1  }
0xa: {  	[smem:$0x3FAF] =	sst s2  }
0xb: {  	[smem:$0x3FB0] =	sst s3  }
0xc: {  	[smem:$0x3FB1] =	sst s4  }
0xd: {  	[smem:$0x3FB2] =	sst s5  }
0xe: {  	[smem:$0x3FB3] =	sst s6  }
0xf: {  	[smem:$0x3FB4] =	sst s7  }
0x10: {  	[smem:$0x3FB5] =	sst s8  }
0x11: {  	[smem:$0x3FB6] =	sst s9;
	s0 =	simm.s32 @!p0 $0x0  }
0x12: {  	s1 =	sld [smem:$0x3F9C];
	s0 =	simm.s32 @p0 $0x1  }
0x13: {  	[smem:$0x3FB7] =	sst s0;
	s0 =	simm.s32 @!p1 $0x0  }
0x14: {  	s2 =	sld [smem:$0x3F9B];
	s0 =	simm.s32 @p1 $0x1  }
0x15: {  	[smem:$0x3FB8] =	sst s0;
	s0 =	simm.s32 @!p2 $0x0  }
0x16: {  	s3 =	sld [smem:$0x3FDB];
	s0 =	simm.s32 @p2 $0x1  }
0x17: {  	s4 =	simm.s32 $0x1BF5;
	[smem:$0x3FBA] =	sst s0  }
0x18: {  	s0 =	sld [smem:$0x3F9D];
	_ =	swait.ge [sflag:s4], $0x0  }
0x19: {  	s7 =	sld [smem:$0x3F9E]  }
0x1a: {  	s8 =	sadd.s32 $0xFFFFE003, lr  }
0x1b: {  	s9 =	sadd.s32 $0xFFFFFEF7, lr;
	s5 =	simm.s32 $0xFFFFFFFF;
	p2 =	slt.u32 s8, $0xFFFFF086  }
0x1c: {  	p1 =	slt.u32 s9, $0xF7A;
	s5 =	simm.s32 @!p2 $0x0  }
0x1d: {  	s5 =	simm.s32 @p1 $0x1;
	p0 =	seq.s32 s7, s2  }
0x1e: {  	s7 =	smul.u32 @!p0 $0xF7A, s2;
	p2 =	seq.s32 @!p0 s5, $0x0  }
0x1f: {  	s9 =	smul.u32 $0xF7A, s1;
	s8 =	simm.s32 @!p0 $0x1BF5;
	p2 =	por !p2, p0  }
0x20: {  	[sflag:s8] =	ssyncset.s32 @!p0 $0xFFFFF086;
	s6 =	sadd.s32 @!p0 s3, s7;
	s7 =	simm.s32 @!p0 $0x108  }
0x21: {  	s3 =	sadd.s32 s3, s9;
	s6 =	sadd.s32 @!p0 $0x88, s6;
	s7 =	simm.s32 @p2 $0x1082  }
0x22: {  	[simem:s7], [sflag:s8] =	dma.local @!p0 [hbm:s6], $0xF7A  }
0x23: {  	s9 =	sor.u32 $0xD0000000, s2;
	s6 =	simm.s32 $0x108;
	_ =	swait.ge @!p0 [sflag:s8], $0x0  }
0x24: {  	s3 =	sadd.s32 $0x88, s3;
	s6 =	simm.s32 @!p1 $0x1082;
	[sflag:s4] =	ssyncset.s32 $0xFFFFF086  }
0x25: {  	[simem:s6], [sflag:s4] =	dma.local [hbm:s3], $0xF7A  }
0x26: {  	[smem:$0x3F9E] =	sst s1;
	(tag) =	ssettag s2;
	_ =	strace s9  }
0x27: {  	s1 =	sld [smem:$0x3FAE]  }
0x28: {  	s2 =	sld [smem:$0x3FAF]  }
0x29: {  	s4 =	sld [smem:$0x3FB1]  }
0x2a: {  	p0 =	seq.s32 s5, $0x0;
	s5 =	sld [smem:$0x3FB2]  }
0x2b: {  	s6 =	sld [smem:$0x3FB3]  }
0x2c: {  	s7 =	sld [smem:$0x3FB4]  }
0x2d: {  	s3 =	simm.s32 $0x108;
	s8 =	sld [smem:$0x3FB5]  }
0x2e: {  	s3 =	simm.s32 @!p0 $0x1082;
	s9 =	sld [smem:$0x3FB6]  }
0x2f: {  	lr =	sadd.s32 s0, s3;
	s0 =	sld [smem:$0x3FAD]  }
0x30: {  	s3 =	sld [smem:$0x3FB0]  }
0x31: {  	[smem:$0x3FB9] =	sst s10  }
0x32: {  	s10 =	sld [smem:$0x3FB7];
	_ =	sdelay $0x3  }
0x33: {  	p0 =	seq.s32 s10, $0x1;
	s10 =	sld [smem:$0x3FB9];
	_ =	sdelay $0x3  }
0x34: {  	[smem:$0x3FB9] =	sst s10  }
0x35: {  	s10 =	sld [smem:$0x3FB8];
	_ =	sdelay $0x3  }
0x36: {  	p1 =	seq.s32 s10, $0x1;
	s10 =	sld [smem:$0x3FB9];
	_ =	sdelay $0x3  }
0x37: {  	[smem:$0x3FB9] =	sst s10  }
0x38: {  	s10 =	sld [smem:$0x3FBA]  }
0x39: {  	_ = 	snop;
	(pc) =	sbr.ind lr, $3  }
0x3a: {  	_ = 	snop  }
0x3b: {  	_ = 	snop  }
0x3c: {  	p2 =	seq.s32 s10, $0x1;
	s10 =	sld [smem:$0x3FB9]  }
0x3d: {  	_ =	shalt  }
0x3e: {  	_ =	shalt  }
0x3f: {  	_ =	shalt  }
0x40: {  	_ =	shalt  }
0x41: {  	_ =	shalt  }
0x42: {  	_ =	shalt  }
0x43: {  	_ =	shalt  }
0x44: {  	_ =	shalt  }
0x45: {  	_ =	shalt  }
0x46: {  	_ =	shalt  }
0x47: {  	_ =	shalt  }
0x48: {  	_ =	shalt  }
0x49: {  	_ =	shalt  }
0x4a: {  	_ =	shalt  }
0x4b: {  	_ =	shalt  }
0x4c: {  	_ =	shalt  }
0x4d: {  	_ =	shalt  }
0x4e: {  	_ =	shalt  }
0x4f: {  	_ =	shalt  }
0x50: {  	_ =	shalt  }
0x51: {  	_ =	shalt  }
0x52: {  	_ =	shalt  }
0x53: {  	_ =	shalt  }
0x54: {  	_ =	shalt  }
0x55: {  	_ =	shalt  }
0x56: {  	_ =	shalt  }
0x57: {  	_ =	shalt  }
0x58: {  	_ =	shalt  }
0x59: {  	_ =	shalt  }
0x5a: {  	_ =	shalt  }
0x5b: {  	_ =	shalt  }
0x5c: {  	_ =	shalt  }
0x5d: {  	_ =	shalt  }
0x5e: {  	_ =	shalt  }
0x5f: {  	_ =	shalt  }
0x60: {  	_ =	shalt  }
0x61: {  	_ =	shalt  }
0x62: {  	_ =	shalt  }
0x63: {  	_ =	shalt  }
0x64: {  	_ =	shalt  }
0x65: {  	_ =	shalt  }
0x66: {  	_ =	shalt  }
0x67: {  	_ =	shalt  }
0x68: {  	_ =	shalt  }
0x69: {  	_ =	shalt  }
0x6a: {  	_ =	shalt  }
0x6b: {  	_ =	shalt  }
0x6c: {  	_ =	shalt  }
0x6d: {  	_ =	shalt  }
0x6e: {  	_ =	shalt  }
0x6f: {  	_ =	shalt  }
0x70: {  	_ =	shalt  }
0x71: {  	_ =	shalt  }
0x72: {  	_ =	shalt  }
0x73: {  	_ =	shalt  }
0x74: {  	_ =	shalt  }
0x75: {  	_ =	shalt  }
0x76: {  	_ =	shalt  }
0x77: {  	_ =	shalt  }
0x78: {  	_ =	shalt  }
0x79: {  	_ =	shalt  }
0x7a: {  	_ =	shalt  }
0x7b: {  	_ =	shalt  }
0x7c: {  	_ =	shalt  }
0x7d: {  	_ =	shalt  }
0x7e: {  	_ =	shalt  }
0x7f: {  	_ =	shalt  }
0x80: {  	_ =	shalt  }
0x81: {  	_ =	shalt  }
0x82: {  	_ =	shalt  }
0x83: {  	_ =	shalt  }
0x84: {  	_ =	shalt  }
0x85: {  	_ =	shalt  }
0x86: {  	_ =	shalt  }
0x87: {  	_ =	shalt  }
.Lfunc_end0:
.L_simem_size_0:
called_computation_lowered:
.L_overlay_start_0:
0x88: {  	s2 =	sld [smem:$0x3FD9]  }
0x89: {  	s3 =	sld [smem:$0x3FFE];
	_ =	sdelay $0x1  }
0x8a: {  	s1 =	srdreg.scid  }
0x8b: {  	s0 =	sand.u32 $0x1, s1  }
0x8c: {  	s17 =	sshll.u32 s0, $0xA;
	s2 =	sadd.s32 s3, s2  }
0x8d: {  	s2 =	sadd.s32 s2, s17  }
0x8e: {  	[smem:$0x3FC5] =	sst s2  }
0x8f: {  	_ = 	snop  }
0x90: {  	s2 =	sld [smem:$0x3FC8]  }
0x91: {  	s18 =	sld [smem:$0x3FC7];
	(tm) =	ssettm $0x1  }
0x92: {  	s4 =	sld [smem:$0x3FFB];
	_ =	sdelay $0x3  }
0x93: {  	_ =	strace s4  }
0x94: {  	s4 =	sld [smem:$0x3FFC];
	_ =	sdelay $0x3  }
0x95: {  	_ =	strace s4  }
0x96: {  	s4 =	sld [smem:$0x3FFD];
	_ =	sdelay $0x3  }
0x97: {  	_ =	strace s4  }
0x98: {  	_ =	strace $0x8FFFFFFF  }
0x99: {  	s19 =	sld [smem:$0x3FDB];
	_ =	sdelay $0x1  }
0x9a: {  	s5 =	simm.s32 $_scs_section_size  }
0x9b: {  	s6 =	simm.s32 $_size__tile_overlayer_lowered;
	s7 =	simm.s32 $_tile_overlayer_lowered  }
0x9c: {  	s22 =	simm.s32 $0x1BFF;
	s21 =	sshll.u32 s7, $0x1;
	s4 =	sadd.s32 s5, s19  }
0x9d: {  	s8 =	simm.s32 $0x0;
	s20 =	sshll.u32 s6, $0x1;
	s6 =	sadd.s32 s21, s4  }
0x9e: {  	[timem:s8], [sflag:s22] =	dma.local [hbm:s6], s20  }
0x9f: {  	_ =	swait.ge [sflag:s22], s20  }
0xa0: {  	s5 =	ssub.s32 $0x0, s20;
	[sflag:s22] =	ssyncset.done $0x0  }
0xa1: {  	[sflag:s22] =	ssyncadd.s32 s5;
	_ =	sdelay $0x1  }
0xa2: {  	s23 =	simm.s32 $0x1B8B  }
0xa3: {  	_ =	swait.ge [sflag:s23], $0x1  }
0xa4: {  	[sflag:s23] =	ssyncset.done $0x0  }
0xa5: {  	s25 =	simm.s32 $0x1B8E;
	s24 =	sld [smem:$0x3FFE];
	[sflag:s23] =	ssyncadd.s32 $0xFFFFFFFF  }
0xa6: {  	s26 =	simm.s32 $execute0_lowered;
	[smem:$0x3FD2] =	sst s25  }
0xa7: {  	s6 =	sshll.u32 s26, $0x1;
	_ =	strace $0x80000046;
	[dreg:$0x1] =	wrdreg $0xFFFFFFFF  }
0xa8: {  	s28 =	simm.s32 $_size_execute0_lowered;
	s4 =	sadd.s32 s4, s6;
	[dreg:$0x0] =	wrdreg $0x0  }
0xa9: {  	s6 =	sshll.u32 s28, $0x1;
	[dreg:$0x2] =	wrdreg s4  }
0xaa: {  	[dreg:$0x3] =	wrdreg s6  }
0xab: {  	[dreg:$0x4] =	wrdreg $0xC0  }
0xac: {  	_ =	task [dreg:s8], $0x5FFFF  }
0xad: {  	[dreg:$0x1] =	wrdreg $0xFFFFFFFF  }
0xae: {  	[dreg:$0x0] =	wrdreg $0x60  }
0xaf: {  	[dreg:$0x2] =	wrdreg s24  }
0xb0: {  	[dreg:$0x3] =	wrdreg s2  }
0xb1: {  	[dreg:$0x4] =	wrdreg s18  }
0xb2: {  	[dreg:$0x5] =	wrdreg $0x9  }
0xb3: {  	_ =	task.clear_ibuf [dreg:s8], $0x6FFFF;
	_ =	strace $0x90000046  }
0xb4: {  	s29 =	simm.s32 $0x9;
	_ =	strace $0x80000048  }
0xb5: {  	_ =	swait.ge [sflag:s29], $0x1  }
0xb6: {  	[sflag:s29] =	ssyncadd.s32 $0xFFFFFFFF  }
0xb7: {  	_ =	strace $0x90000048  }
0xb8: {  	_ =	sfence  }
0xb9: {  	s30 =	sld [smem:$0x0];
	_ =	sdelay $0x2  }
0xba: {  	s31 =	sshll.u32 s1, $0xD;
	s1 =	sshrl.u32 s1, $0x2  }
0xbb: {  	s3 =	sand.u32 $0x4000, s31;
	s1 =	sadd.s32 s1, s30  }
0xbc: {  	s0 =	sor.u32 s3, s0;
	s1 =	sshll.u32 s1, $0x11  }
0xbd: {  	s0 =	sor.u32 s1, s0  }
0xbe: {  	s0 =	sadd.s32 $0x8F2B, s0  }
0xbf: {  	[sflag:s0] =	ssyncadd.remote.s32 $0x1  }
0xc0: {  	_ =	sfence.sel $0xFFFF  }
0xc1: {  	[dreg:$0x0] =	wrdreg $0xFFFFFFFF;
	(pc) =	sbr.abs _section_cstart, $3  }
0xc2: {  	[dreg:$0x1] =	wrdreg $0xFFFFFFFF  }
0xc3: {  	_ =	task.clear_ibuf [dreg:s8], $0x2FFFF;
	_ =	strace $0x9FFFFFFF  }
0xc4: {  	(tm) =	ssettm $0x7FFFFFFF  }
0xc5: {  	_ =	shalt  }
tec
execute0_lowered:
.L_overlay_start_1:
0x0: {  	(tag) =	ssettag $0x1  }
0x1: {  	s3 =	rddreg [dreg:$0x0]  }
0x2: {  	s4 =	rddreg [dreg:$0x1];
	s1 =	srdreg.scid;
	v0 =	vimm.s32 $0x2380;
	vm0 =	vcmask $0x300  }
0x3: {  	s0 =	stileid.u32;
	s5 =	rddreg [dreg:$0x2];
	vm14 =	vcmask $0x704;
	s2 =	simm.s32 $0x0;
	v0 =	vsel vm0, $0x0, v0  }
0x4: {  	vm15 =	vcmask $0xB08;
	s19 =	simm.s32 $0x3;
	s20 =	simm.s32 $0x100;
	s21 =	simm.s32 $0x200;
	v0 =	vsel vm14, $0x80, v0  }
0x5: {  	vm4 =	vcmask $0xF0C;
	s22 =	simm.s32 $0x4200;
	s23 =	simm.s32 $0x1;
	s24 =	simm.s32 $0x2;
	v0 =	vsel vm15, $0x100, v0  }
0x6: {  	vm5 =	vcmask $0x1310;
	s6 =	sand.u32 $0x1, s1;
	s7 =	sshll.u32 s0, $0x1;
	s1 =	rddreg [dreg:$0x3];
	v0 =	vsel vm4, $0x180, v0  }
0x7: {  	vm6 =	vcmask $0x1714;
	s25 =	simm.s32 $0x8200;
	[smem:$0x7FF] =	sst s2;
	s7 =	sor.u32 s6, s7;
	v0 =	vsel vm5, $0x200, v0  }
0x8: {  	vm7 =	vcmask $0x1B18;
	s11 =	sadd.s32 $0x400, s3;
	s30 =	ssub.s32 $0x2, s6;
	s8 =	smul.u32 $0xC0, s7;
	v0 =	vsel vm6, $0x280, v0  }
0x9: {  	vm8 =	vcmask $0x1F1C;
	s9 =	sshll.u32 s7, $0x1;
	s7 =	smul.u32 $0x30000, s7;
	s6 =	sshrl.u32 s30, $0x1;
	v0 =	vsel vm7, $0x300, v0  }
0xa: {  	vm9 =	vcmask $0x2320;
	_ =	strace $0x80000047;
	s17 =	sadd.s32 s9, s3;
	s18 =	ssub.s32 s30, s6;
	v0 =	vsel vm8, $0x380, v0  }
0xb: {  	vm10 =	vcmask $0x2724;
	s8 =	sadd.s32 $0x2800, s8;
	s7 =	sshrl.u32 s7, $0x3;
	s17 =	sadd.s32 $0x200400, s17;
	v0 =	vsel vm9, $0x2000, v0  }
0xc: {  	vm11 =	vcmask $0x2B28;
	s18 =	smax.u32 s18, $0x1;
	s31 =	sshrl.u32 s8, $0x3;
	s16 =	sadd.s32 s11, s7;
	v0 =	vsel vm10, $0x2080, v0  }
0xd: {  	vm12 =	vcmask $0x2F2C;
	s3 =	sadd.s32 s4, s31;
	s4 =	sadd.s32 s5, s31;
	s5 =	sadd.s32 $0x140800, s16;
	v0 =	vsel vm11, $0x2100, v0  }
0xe: {  	vm13 =	vcmask $0x3330;
	s12 =	sshll.u32 s8, $0x7;
	s6 =	sadd.s32 $0x141000, s16;
	s7 =	sadd.s32 $0x141800, s16;
	v0 =	vsel vm12, $0x2180, v0  }
0xf: {  	vm14 =	vcmask $0x3734;
	s8 =	sadd.s32 $0x142000, s16;
	s9 =	sadd.s32 $0x142800, s16;
	s10 =	sadd.s32 $0x143000, s16;
	v0 =	vsel vm13, $0x2200, v0  }
0x10: {  	vm15 =	vcmask $0x3B38;
	s11 =	sadd.s32 s11, s12;
	s12 =	sadd.s32 $0x143800, s16;
	s13 =	sadd.s32 $0x144800, s16;
	v0 =	vsel vm14, $0x2280, v0  }
0x11: {  	s14 =	sadd.s32 $0x144000, s16;
	s15 =	sadd.s32 $0x145000, s16;
	s16 =	sadd.s32 $0x145800, s16;
	v0 =	vsel vm15, $0x2300, v0  }
.LBB2_1:
0x12: {  	[tilespmem:s2], [sflag:$0x3] =	stream.linear.gather [hbm4b:s3+s2], $0xC0, $0x38;
	[tilespmem:$0x8280] =	vst v63  }
0x13: {  	_ =	swait.ge [sflag:s19], $0xC0  }
0x14: {  	[sflag:s19] =	ssyncset.done $0x0  }
0x15: {  	[sflag:s19] =	ssyncadd.s32 $0xFFFFFF40  }
0x16: {  	[tilespmem:s20], [sflag:$0x3] =	stream.linear.gather [hbm4b:s4+s2], $0xC0, $0x38;
	[tilespmem:$0x8280] =	vst v63  }
0x17: {  	_ =	swait.ge [sflag:s19], $0xC0  }
0x18: {  	[sflag:s19] =	ssyncset.done $0x0  }
0x19: {  	[sflag:s19] =	ssyncadd.s32 $0xFFFFFF40  }
0x1a: {  	[tilespmem:s21], [sflag:$0x1] =	stream.linear.gather [hbm4b:s11+s2], $0x4000, $0x38;
	[tilespmem:$0x8280] =	vst v63  }
0x1b: {  	_ = 	snop  }
0x1c: {  	[tilespmem:s22], [sflag:$0x2] =	stream.linear.gather [hbm4b:s5+s2], $0x4000, $0x38;
	[tilespmem:$0x8280] =	vst v63  }
0x1d: {  	_ =	swait.ge [sflag:s23], $0x4000  }
0x1e: {  	[sflag:s23] =	ssyncset.done $0x0  }
0x1f: {  	[sflag:s23] =	ssyncadd.s32 $0xFFFFC000  }
0x20: {  	v1 =	vld [tilespmem:$0x0];
	_ =	sdelay $0x4  }
0x21: {  	v2 =	vshll.u32 v1, $0x3  }
0x22: {  	v1 =	vand.u32 $0x7F, v1;
	v2 =	vand.u32 $0xFFFFFC00, v2  }
0x23: {  	v1 =	vor.u32 v1, v2  }
0x24: {  	v1 =	vadd.s32 v0, v1;
	_ =	sdelay $0x3  }
0x25: {  	v2 =	vld [tilespmem:$0x100]  }
0x26: {  	v1 =	vld.idx.msk [tilespmem:v1+s21+$0x0], $0xffff;
	[tilespmem:s21], [sflag:$0x1] =	stream.linear.gather [hbm4b:s6+s2], $0x4000, $0x38  }
0x27: {  	_ =	swait.ge [sflag:s24], $0x4000  }
0x28: {  	[sflag:s24] =	ssyncset.done $0x0  }
0x29: {  	[sflag:s24] =	ssyncadd.s32 $0xFFFFC000  }
0x2a: {  	v3 =	vld [tilespmem:$0x10];
	_ =	sdelay $0x4  }
0x2b: {  	v4 =	vshll.u32 v3, $0x3  }
0x2c: {  	v3 =	vand.u32 $0x7F, v3;
	v4 =	vand.u32 $0xFFFFFC00, v4  }
0x2d: {  	v3 =	vor.u32 v3, v4  }
0x2e: {  	v3 =	vadd.s32 v0, v3;
	_ =	sdelay $0x3  }
0x2f: {  	v52 =	vld [tilespmem:$0x110]  }
0x30: {  	v3 =	vld.idx.msk [tilespmem:v3+s22+$0x0], $0xffff;
	[tilespmem:s22], [sflag:$0x2] =	stream.linear.gather [hbm4b:s7+s2], $0x4000, $0x38  }
0x31: {  	_ =	swait.ge [sflag:s23], $0x4000  }
0x32: {  	[sflag:s23] =	ssyncset.done $0x0  }
0x33: {  	[sflag:s23] =	ssyncadd.s32 $0xFFFFC000  }
0x34: {  	v5 =	vld [tilespmem:$0x20];
	_ =	sdelay $0x4  }
0x35: {  	v6 =	vshll.u32 v5, $0x3  }
0x36: {  	v5 =	vand.u32 $0x7F, v5;
	v6 =	vand.u32 $0xFFFFFC00, v6  }
0x37: {  	v5 =	vor.u32 v5, v6  }
0x38: {  	v5 =	vadd.s32 v0, v5;
	_ =	sdelay $0x3  }
0x39: {  	v53 =	vld [tilespmem:$0x120]  }
0x3a: {  	v5 =	vld.idx.msk [tilespmem:v5+s21+$0x0], $0xffff;
	[tilespmem:s21], [sflag:$0x1] =	stream.linear.gather [hbm4b:s8+s2], $0x4000, $0x38  }
0x3b: {  	_ =	swait.ge [sflag:s24], $0x4000  }
0x3c: {  	[sflag:s24] =	ssyncset.done $0x0  }
0x3d: {  	[sflag:s24] =	ssyncadd.s32 $0xFFFFC000  }
0x3e: {  	v7 =	vld [tilespmem:$0x30];
	_ =	sdelay $0x4  }
0x3f: {  	v8 =	vshll.u32 v7, $0x3  }
0x40: {  	v7 =	vand.u32 $0x7F, v7;
	v8 =	vand.u32 $0xFFFFFC00, v8  }
0x41: {  	v7 =	vor.u32 v7, v8  }
0x42: {  	v7 =	vadd.s32 v0, v7;
	_ =	sdelay $0x3  }
0x43: {  	v54 =	vld [tilespmem:$0x130]  }
0x44: {  	v7 =	vld.idx.msk [tilespmem:v7+s22+$0x0], $0xffff;
	[tilespmem:s22], [sflag:$0x2] =	stream.linear.gather [hbm4b:s9+s2], $0x4000, $0x38  }
0x45: {  	_ =	swait.ge [sflag:s23], $0x4000  }
0x46: {  	[sflag:s23] =	ssyncset.done $0x0  }
0x47: {  	[sflag:s23] =	ssyncadd.s32 $0xFFFFC000  }
0x48: {  	v9 =	vld [tilespmem:$0x40];
	_ =	sdelay $0x4  }
0x49: {  	v10 =	vshll.u32 v9, $0x3  }
0x4a: {  	v9 =	vand.u32 $0x7F, v9;
	v10 =	vand.u32 $0xFFFFFC00, v10  }
0x4b: {  	v9 =	vor.u32 v9, v10  }
0x4c: {  	v9 =	vadd.s32 v0, v9;
	_ =	sdelay $0x3  }
0x4d: {  	v55 =	vld [tilespmem:$0x140]  }
0x4e: {  	v9 =	vld.idx.msk [tilespmem:v9+s21+$0x0], $0xffff;
	[tilespmem:s21], [sflag:$0x1] =	stream.linear.gather [hbm4b:s10+s2], $0x4000, $0x38  }
0x4f: {  	_ =	swait.ge [sflag:s24], $0x4000  }
0x50: {  	[sflag:s24] =	ssyncset.done $0x0  }
0x51: {  	[sflag:s24] =	ssyncadd.s32 $0xFFFFC000  }
0x52: {  	v11 =	vld [tilespmem:$0x50];
	_ =	sdelay $0x4  }
0x53: {  	v12 =	vshll.u32 v11, $0x3  }
0x54: {  	v11 =	vand.u32 $0x7F, v11;
	v12 =	vand.u32 $0xFFFFFC00, v12  }
0x55: {  	v11 =	vor.u32 v11, v12  }
0x56: {  	v11 =	vadd.s32 v0, v11;
	_ =	sdelay $0x3  }
0x57: {  	v56 =	vld [tilespmem:$0x150]  }
0x58: {  	v11 =	vld.idx.msk [tilespmem:v11+s22+$0x0], $0xffff;
	[tilespmem:s22], [sflag:$0x2] =	stream.linear.gather [hbm4b:s12+s2], $0x4000, $0x38  }
0x59: {  	_ =	swait.ge [sflag:s23], $0x4000  }
0x5a: {  	[sflag:s23] =	ssyncset.done $0x0  }
0x5b: {  	[sflag:s23] =	ssyncadd.s32 $0xFFFFC000  }
0x5c: {  	v13 =	vld [tilespmem:$0x60];
	_ =	sdelay $0x4  }
0x5d: {  	v14 =	vshll.u32 v13, $0x3  }
0x5e: {  	v13 =	vand.u32 $0x7F, v13;
	v14 =	vand.u32 $0xFFFFFC00, v14  }
0x5f: {  	v13 =	vor.u32 v13, v14  }
0x60: {  	v13 =	vadd.s32 v0, v13;
	_ =	sdelay $0x3  }
0x61: {  	v57 =	vld [tilespmem:$0x160]  }
0x62: {  	v13 =	vld.idx.msk [tilespmem:v13+s21+$0x0], $0xffff;
	[tilespmem:s21], [sflag:$0x1] =	stream.linear.gather [hbm4b:s14+s2], $0x4000, $0x38  }
0x63: {  	_ =	swait.ge [sflag:s24], $0x4000  }
0x64: {  	[sflag:s24] =	ssyncset.done $0x0  }
0x65: {  	[sflag:s24] =	ssyncadd.s32 $0xFFFFC000  }
0x66: {  	v15 =	vld [tilespmem:$0x70];
	_ =	sdelay $0x4  }
0x67: {  	v16 =	vshll.u32 v15, $0x3  }
0x68: {  	v15 =	vand.u32 $0x7F, v15;
	v16 =	vand.u32 $0xFFFFFC00, v16  }
0x69: {  	v15 =	vor.u32 v15, v16  }
0x6a: {  	v15 =	vadd.s32 v0, v15;
	_ =	sdelay $0x3  }
0x6b: {  	v58 =	vld [tilespmem:$0x170]  }
0x6c: {  	v15 =	vld.idx.msk [tilespmem:v15+s22+$0x0], $0xffff;
	[tilespmem:s22], [sflag:$0x2] =	stream.linear.gather [hbm4b:s13+s2], $0x4000, $0x38  }
0x6d: {  	_ =	swait.ge [sflag:s23], $0x4000  }
0x6e: {  	[sflag:s23] =	ssyncset.done $0x0  }
0x6f: {  	[sflag:s23] =	ssyncadd.s32 $0xFFFFC000  }
0x70: {  	v17 =	vld [tilespmem:$0x80];
	_ =	sdelay $0x4  }
0x71: {  	v18 =	vshll.u32 v17, $0x3  }
0x72: {  	v17 =	vand.u32 $0x7F, v17;
	v18 =	vand.u32 $0xFFFFFC00, v18  }
0x73: {  	v17 =	vor.u32 v17, v18  }
0x74: {  	v17 =	vadd.s32 v0, v17;
	_ =	sdelay $0x3  }
0x75: {  	v59 =	vld [tilespmem:$0x180]  }
0x76: {  	v17 =	vld.idx.msk [tilespmem:v17+s21+$0x0], $0xffff;
	[tilespmem:s21], [sflag:$0x1] =	stream.linear.gather [hbm4b:s15+s2], $0x4000, $0x38  }
0x77: {  	_ =	swait.ge [sflag:s24], $0x4000  }
0x78: {  	[sflag:s24] =	ssyncset.done $0x0  }
0x79: {  	[sflag:s24] =	ssyncadd.s32 $0xFFFFC000  }
0x7a: {  	v19 =	vld [tilespmem:$0x90];
	_ =	sdelay $0x4  }
0x7b: {  	v20 =	vshll.u32 v19, $0x3  }
0x7c: {  	v19 =	vand.u32 $0x7F, v19;
	v20 =	vand.u32 $0xFFFFFC00, v20  }
0x7d: {  	v19 =	vor.u32 v19, v20  }
0x7e: {  	v19 =	vadd.s32 v0, v19;
	_ =	sdelay $0x3  }
0x7f: {  	v60 =	vld [tilespmem:$0x190]  }
0x80: {  	v19 =	vld.idx.msk [tilespmem:v19+s22+$0x0], $0xffff;
	[tilespmem:s22], [sflag:$0x2] =	stream.linear.gather [hbm4b:s16+s2], $0x4000, $0x38  }
0x81: {  	_ =	swait.ge [sflag:s23], $0x4000  }
0x82: {  	[sflag:s23] =	ssyncset.done $0x0  }
0x83: {  	[sflag:s23] =	ssyncadd.s32 $0xFFFFC000  }
0x84: {  	v21 =	vld [tilespmem:$0xA0];
	_ =	sdelay $0x4  }
0x85: {  	v22 =	vshll.u32 v21, $0x3  }
0x86: {  	v21 =	vand.u32 $0x7F, v21;
	v22 =	vand.u32 $0xFFFFFC00, v22  }
0x87: {  	v21 =	vor.u32 v21, v22  }
0x88: {  	v21 =	vadd.s32 v0, v21;
	_ =	sdelay $0x2  }
0x89: {  	v1 =	vmul.f32 v2, v1  }
0x8a: {  	v61 =	vld [tilespmem:$0x1A0]  }
0x8b: {  	v1 =	vadd.f32 $0.0e+00, v1;
	v2 =	vmul.f32 v52, v3;
	v21 =	vld.idx.msk [tilespmem:v21+s21+$0x0], $0xffff;
	_ =	swait.ge [sflag:s24], $0x4000  }
0x8c: {  	[sflag:s24] =	ssyncset.done $0x0  }
0x8d: {  	v1 =	vadd.f32 v2, v1;
	v2 =	vmul.f32 v53, v5;
	[sflag:s24] =	ssyncadd.s32 $0xFFFFC000  }
0x8e: {  	v3 =	vld [tilespmem:$0xB0]  }
0x8f: {  	v1 =	vadd.f32 v2, v1;
	v2 =	vmul.f32 v54, v7;
	_ =	sdelay $0x1  }
0x90: {  	v1 =	vadd.f32 v2, v1;
	v2 =	vmul.f32 v55, v9;
	_ =	sdelay $0x1  }
0x91: {  	v1 =	vadd.f32 v2, v1;
	v62 =	vshll.u32 v3, $0x3  }
0x92: {  	v2 =	vmul.f32 v56, v11;
	v3 =	vand.u32 $0x7F, v3;
	v4 =	vand.u32 $0xFFFFFC00, v62  }
0x93: {  	v3 =	vor.u32 v3, v4  }
0x94: {  	v1 =	vadd.f32 v2, v1;
	v2 =	vmul.f32 v57, v13;
	v3 =	vadd.s32 v0, v3;
	_ =	sdelay $0x1  }
0x95: {  	v1 =	vadd.f32 v2, v1;
	v2 =	vmul.f32 v58, v15;
	_ =	sdelay $0x1  }
0x96: {  	v1 =	vadd.f32 v2, v1;
	v2 =	vmul.f32 v59, v17;
	v63 =	vld [tilespmem:$0x1B0]  }
0x97: {  	v3 =	vld.idx.msk [tilespmem:v3+s22+$0x0], $0xffff  }
0x98: {  	v1 =	vadd.f32 v2, v1;
	v2 =	vmul.f32 v60, v19;
	_ =	sdelay $0x1  }
0x99: {  	v1 =	vadd.f32 v2, v1;
	v2 =	vmul.f32 v61, v21;
	_ =	sdelay $0x1  }
0x9a: {  	v1 =	vadd.f32 v2, v1;
	v2 =	vmul.f32 v63, v3;
	_ =	sdelay $0x1  }
0x9b: {  	v1 =	vadd.f32 v2, v1  }
0x9c: {  	p0 =	sne.s32 s18, $0x1  }
.Ltmp0:
0x9d: {  	[tilespmem:$0x8200] =	vst v1;
	(pc) =	sbr.rel @p0 .LBB2_1-.Ltmp0, $4  }
0x9e: {  	[hbm4b:s17+s2] =	stream.linear.scatter [tilespmem:s25], [sflag:$0x3], $0x10, $0x38;
	[tilespmem:$0x8280] =	vst v63  }
0x9f: {  	_ =	swait.ge [sflag:s19], $0x10  }
0xa0: {  	[sflag:s19] =	ssyncset.done $0x0  }
0xa1: {  	s18 =	sadd.s32 $0xFFFFFFFF, s18;
	[sflag:s19] =	ssyncadd.s32 $0xFFFFFFF0  }
0xa2: {  	_ =	sfence.sel $0x180000  }
0xa3: {  	[bflag:$0x0] =	sbarrier.arrive $0xFFFF  }
0xa4: {  	p0 =	sne.s32 s0, $0x0;
	_ =	strace $0x90000047  }
0xa5: {  	s0 =	sadd.s32 @!p0 $0x100000, s1;
	[bflag:$0x2] =	sbarrier.arrive $0xFFFF  }
0xa6: {  	[sflag:s0] =	ssyncadd.tile.s32 @!p0 $0x1;
	_ =	shalt  }
.Lfunc_end2:
_tile_overlayer_lowered:
.L_overlay_start_2:
0xa7: {  	(tag) =	ssettag $0x2  }
0xa8: {  	s0 =	rddreg [dreg:$0x0];
	s2 =	stileid.u32  }
0xa9: {  	s1 =	rddreg [dreg:$0x1];
	p0 =	sne.s32 s2, $0x0  }
0xaa: {  	s3 =	rddreg [dreg:$0x2];
	[bflag:$0x3] =	sbarrier.arrive $0xFFFF;
	s2 =	simm.s32 @!p0 $0x1C03  }
0xab: {  	[timem:s3], [sflag:s2] =	dma.local @!p0 [hbm:s0], s1  }
0xac: {  	s0 =	simm.s32 @!p0 $0x3  }
0xad: {  	_ =	swait.ge @!p0 [sflag:s0], s1  }
0xae: {  	s1 =	ssub.s32 @!p0 $0x0, s1;
	[sflag:s0] =	ssyncset.done @!p0 $0x0  }
0xaf: {  	[sflag:s0] =	ssyncadd.s32 @!p0 s1  }
0xb0: {  	[bflag:$0x3] =	sbarrier.arrive $0xFFFF  }
0xb1: {  	_ =	shalt  }

</sc_bundles>
